<compile_context>
chip_gen: v7x
topology: tpu7x:2x2x1
jax: 0.10.2.dev20260603
libtpu: 0.0.44.dev20260713+nightly
codegen_flags: <defaults>
</compile_context>

<pallas_src>
import functools

import jax
import jax.numpy as jnp
from jax.experimental import compute_on
from jax.experimental import pallas as pl
from jax.experimental.pallas import tpu as pltpu
from jax.experimental.pallas import tpu_sc as plsc

N = 1000000

TC_N = 786432
ROWS, COLS = 768, 1024
BLOCK_ROWS = 256
GRID = ROWS // BLOCK_ROWS
STRIP = 8

SC_CHUNK = 6688
SC_LAST = N - SC_CHUNK
NW = 32

_KS0 = 0
_KS1 = 42
_KS2 = _KS0 ^ _KS1 ^ 0x1BD11BDA
_ROT = ((13, 15, 26, 6), (17, 29, 16, 24))


def _rotl(x, d):
    return (x << jnp.uint32(d)) | (x >> jnp.uint32(32 - d))


def _threefry_bits(c2):
    ks = (jnp.uint32(_KS0), jnp.uint32(_KS1), jnp.uint32(_KS2))
    x0 = jnp.full(c2.shape, _KS0, jnp.uint32)
    x1 = c2 + ks[1]

    def rounds(x0, x1, rs):
        for r in rs:
            x0 = x0 + x1
            x1 = _rotl(x1, r)
            x1 = x0 ^ x1
        return x0, x1

    x0, x1 = rounds(x0, x1, _ROT[0])
    x0, x1 = x0 + ks[1], x1 + ks[2] + jnp.uint32(1)
    x0, x1 = rounds(x0, x1, _ROT[1])
    x0, x1 = x0 + ks[2], x1 + ks[0] + jnp.uint32(2)
    x0, x1 = rounds(x0, x1, _ROT[0])
    x0, x1 = x0 + ks[0], x1 + ks[1] + jnp.uint32(3)
    x0, x1 = rounds(x0, x1, _ROT[1])
    x0, x1 = x0 + ks[1], x1 + ks[2] + jnp.uint32(4)
    x0, x1 = rounds(x0, x1, _ROT[0])
    x0, x1 = x0 + ks[2], x1 + ks[0] + jnp.uint32(5)
    return x0 ^ x1


_TINY = 1.1754943508222875e-38


def _uniform_from_bits(bits):
    fbits = (bits >> jnp.uint32(9)) | jnp.uint32(0x3F800000)
    f = jax.lax.bitcast_convert_type(fbits, jnp.float32) - jnp.float32(1.0)
    return jnp.maximum(f, jnp.float32(_TINY))



def _tc_body(w_ref, idx_out, val_out, m_acc, idx_acc):
    j = pl.program_id(0)

    row = jax.lax.broadcasted_iota(jnp.int32, (STRIP, COLS), 0)
    col = jax.lax.broadcasted_iota(jnp.int32, (STRIP, COLS), 1)
    pos0 = j * BLOCK_ROWS * COLS + row * COLS + col

    def step(i, carry):
        m_vec, idx_vec = carry
        pos = pos0 + i * (STRIP * COLS)
        w = w_ref[pl.ds(i * STRIP, STRIP), :]
        u = _uniform_from_bits(_threefry_bits(pos.astype(jnp.uint32)))
        z = -jnp.log(-jnp.log(u)) + jnp.log(w)
        upd = z > m_vec
        m_vec = jnp.where(upd, z, m_vec)
        idx_vec = jnp.where(upd, pos, idx_vec)
        return m_vec, idx_vec

    m0 = jnp.where(j == 0, jnp.full((STRIP, COLS), -jnp.inf, jnp.float32),
                   m_acc[...])
    i0 = jnp.where(j == 0, jnp.full((STRIP, COLS), 2**31 - 1, jnp.int32),
                   idx_acc[...])
    m_vec, idx_vec = jax.lax.fori_loop(
        0, BLOCK_ROWS // STRIP, step, (m0, i0), unroll=4)
    m_acc[...] = m_vec
    idx_acc[...] = idx_vec

    @pl.when(j == GRID - 1)
    def _():
        m = jnp.max(m_vec)
        idx_out[0] = jnp.min(
            jnp.where(m_vec == m, idx_vec, jnp.int32(2**31 - 1)))
        val_out[0] = m


def _tc_call(wp):
    return pl.pallas_call(
        _tc_body,
        grid=(GRID,),
        in_specs=[pl.BlockSpec((BLOCK_ROWS, COLS), lambda j: (j, 0))],
        out_specs=[pl.BlockSpec(memory_space=pltpu.SMEM),
                   pl.BlockSpec(memory_space=pltpu.SMEM)],
        out_shape=[jax.ShapeDtypeStruct((1,), jnp.int32),
                   jax.ShapeDtypeStruct((1,), jnp.float32)],
        scratch_shapes=[
            pltpu.VMEM((STRIP, COLS), jnp.float32),
            pltpu.VMEM((STRIP, COLS), jnp.int32),
        ],
    )(wp)



_SQRT2 = 1.4142135623730951
_LN2 = 0.6931471805599453


def _sc_body(w_hbm, s_out, i_out, w_v, res_s, res_i):
    c = jax.lax.axis_index("c")
    s_ax = jax.lax.axis_index("s")
    wid = s_ax * 2 + c
    base = pl.multiple_of(jnp.minimum(TC_N + wid * SC_CHUNK, SC_LAST), 16)
    pltpu.sync_copy(w_hbm.at[pl.ds(base, SC_CHUNK)], w_v)
    lane = jax.lax.iota(jnp.int32, 16)

    def step(i, carry):
        bs, bi = carry
        w = w_v[pl.ds(i * 16, 16)]
        pos = base + i * 16 + lane
        u = _uniform_from_bits(_threefry_bits(pos.astype(jnp.uint32)))
        ub = jax.lax.bitcast_convert_type(u, jnp.uint32)
        k = (ub >> jnp.uint32(23)).astype(jnp.int32) - 127
        m = jax.lax.bitcast_convert_type(
            (ub & jnp.uint32(0x007FFFFF)) | jnp.uint32(0x3F800000),
            jnp.float32)
        big = m > jnp.float32(_SQRT2)
        m = jnp.where(big, m * jnp.float32(0.5), m)
        k = jnp.where(big, k + 1, k)
        t = (m - jnp.float32(1.0)) / (m + jnp.float32(1.0))
        t2 = t * t
        p = t * (jnp.float32(1.0) + t2 * (jnp.float32(1 / 3) + t2 * (
            jnp.float32(1 / 5) + t2 * (jnp.float32(1 / 7)
                                       + t2 * jnp.float32(1 / 9)))))
        lnu = k.astype(jnp.float32) * jnp.float32(_LN2) + jnp.float32(2.0) * p
        s = w / (-lnu)
        upd = s > bs
        bs = jnp.where(upd, s, bs)
        bi = jnp.where(upd, pos, bi)
        return bs, bi

    bs0 = jnp.full((16,), -1.0, jnp.float32)
    bi0 = jnp.full((16,), 2**31 - 1, jnp.int32)
    bs, bi = jax.lax.fori_loop(0, SC_CHUNK // 16, step, (bs0, bi0))
    res_s[...] = bs
    res_i[...] = bi
    pltpu.sync_copy(res_s, s_out.at[wid])
    pltpu.sync_copy(res_i, i_out.at[wid])


_sc_call = functools.partial(
    pl.kernel,
    out_type=[jax.ShapeDtypeStruct((NW, 16), jnp.float32),
              jax.ShapeDtypeStruct((NW, 16), jnp.int32)],
    mesh=plsc.VectorSubcoreMesh(core_axis_name="c", subcore_axis_name="s"),
    scratch_types=[
        pltpu.VMEM((SC_CHUNK,), jnp.float32),
        pltpu.VMEM((16,), jnp.float32),
        pltpu.VMEM((16,), jnp.int32),
    ],
)(_sc_body)


def kernel(weights):
    with compute_on.compute_on("tpu_sparsecore"):
        sc_s, sc_i = _sc_call(weights)
    wp = weights[:TC_N].reshape(ROWS, COLS)
    tc_idx, tc_val = _tc_call(wp)

    m = jnp.max(sc_s)
    sc_idx = jnp.min(jnp.where(sc_s == m, sc_i, jnp.int32(2**31 - 1)))
    z_sc = jnp.log(m)
    idx = jnp.where(z_sc > tc_val[0], sc_idx, tc_idx[0])
    return idx[None]

# --- scband reference (transcript-rebuilt; emitter-appended) ---
"""Pipeline reference for scband-weighted-random-integer-83760452206771 (READ-ONLY COPY).

The authoritative reference and input builder live on the scoring server;
editing this copy changes nothing except your own understanding.
"""

import jax, jax.numpy as jnp
import numpy as np

NUM_WEIGHTS = 1000000

def setup_inputs(seed: int = 0) -> dict:
    key = jax.random.key(seed)
    # weights buffer created in __init__ via torch.rand((num_weights,))
    weights = jax.random.uniform(key, (NUM_WEIGHTS,), dtype=jnp.float32)
    return {"weights": weights}

def reference(weights):
    # torch.multinomial(weights, 1, replacement=True):
    # draws 1 index with probability proportional to weights.
    # Equivalent to a categorical draw with logits = log(weights).
    key = jax.random.key(42)
    logits = jnp.log(weights)
    idx = jax.random.categorical(key, logits, shape=(1,))
    return idx.astype(jnp.int64)

if __name__ == "__main__":
    import jax
    _d = setup_inputs()
    print(jax.jit(kernel)(*tuple(_d.values())))

</pallas_src>

<mosaic_0001>
#map = affine_map<(d0, d1) -> (0)>
#map1 = affine_map<(d0, d1) -> (0, 0)>
module attributes {stable_mosaic.version = 14 : i64} {
  func.func @_sc_body(%arg0: i32, %arg1: i32, %arg2: memref<1000000xf32, #tpu.memory_space<hbm>>, %arg3: memref<32x16xf32, #tpu.memory_space<hbm>>, %arg4: memref<32x16xi32, #tpu.memory_space<hbm>>, %arg5: memref<6688xf32, #tpu.memory_space<vmem>>, %arg6: memref<16xf32, #tpu.memory_space<vmem>>, %arg7: memref<16xi32, #tpu.memory_space<vmem>>) attributes {dimension_semantics = [#tpu.dimension_semantics<core_parallel>, #tpu.dimension_semantics<subcore_parallel>], iteration_bounds = array<i64: 2, 16>, scalar_prefetch = 0 : i64, scratch_operands = 3 : i64, tpu.core_type = #tpu.core_type<sc_vector_subcore>, window_params = [{transform_indices = #map}, {transform_indices = #map1}, {transform_indices = #map1}]} {
    %mul3A = arith.constant 2 : i32
    %mul3A_0 = arith.muli %arg1, %mul3A : i32
    %add3A = arith.addi %mul3A_0, %arg0 : i32
    %mul3A_1 = arith.constant 6688 : i32
    %mul3A_2 = arith.muli %add3A, %mul3A_1 : i32
    %add3A_3 = arith.constant 786432 : i32
    %add3A_4 = arith.addi %add3A_3, %mul3A_2 : i32
    %min3A = arith.constant 993312 : i32
    %min3A_5 = arith.minsi %add3A_4, %min3A : i32
    %multiple_of3A = tpu.assume_multiple %min3A_5, 16 : i32
    "tpu.region"() ({
      %run_scoped3A = tpu.sem_alloc : memref<!tpu.dma_semaphore, #tpu.memory_space<semaphore_mem>>
      %dma_start3A = tpu.memref_slice %arg2[%multiple_of3A] : memref<1000000xf32, #tpu.memory_space<hbm>> -> memref<6688xf32, #tpu.memory_space<hbm>>
      %dma_start3A_21 = tpu.memref_slice %arg2[%multiple_of3A] : memref<1000000xf32, #tpu.memory_space<hbm>> -> memref<6688xf32, #tpu.memory_space<hbm>>
      tpu.enqueue_dma source(%dma_start3A_21 : memref<6688xf32, #tpu.memory_space<hbm>>) target(%arg5 : memref<6688xf32, #tpu.memory_space<vmem>>) target_semaphore(%run_scoped3A : memref<!tpu.dma_semaphore, #tpu.memory_space<semaphore_mem>>)
      %dma_wait3A = tpu.memref_slice %arg2[%multiple_of3A] : memref<1000000xf32, #tpu.memory_space<hbm>> -> memref<6688xf32, #tpu.memory_space<hbm>>
      %dma_wait3A_22 = tpu.memref_slice %arg2[%multiple_of3A] : memref<1000000xf32, #tpu.memory_space<hbm>> -> memref<6688xf32, #tpu.memory_space<hbm>>
      tpu.wait_dma2 semaphore(%run_scoped3A : memref<!tpu.dma_semaphore, #tpu.memory_space<semaphore_mem>>) src(%dma_wait3A_22 : memref<6688xf32, #tpu.memory_space<hbm>>) dst(%arg5 : memref<6688xf32, #tpu.memory_space<vmem>>)
      tpu.yield
    }) : () -> ()
    %iota3A = tpu.iota {dimensions = array<i32: 0>} : vector<16xi32>
    %broadcast_in_dim3A = arith.constant -1.000000e+00 : f32
    %broadcast_in_dim3A_6 = vector.broadcast %broadcast_in_dim3A : f32 to vector<16xf32>
    %broadcast_in_dim3A_7 = arith.constant 2147483647 : i32
    %broadcast_in_dim3A_8 = vector.broadcast %broadcast_in_dim3A_7 : i32 to vector<16xi32>
    %scan3A = arith.constant 0 : i32
    %scan3A_9 = arith.constant 418 : i32
    %scan3A_10 = arith.addi %scan3A, %scan3A_9 : i32
    %scan3A_11 = arith.constant 1 : i32
    %scan3A_12:2 = scf.for %scan3A_21 = %scan3A to %scan3A_10 step %scan3A_11 iter_args(%scan3A_22 = %broadcast_in_dim3A_6, %scan3A_23 = %broadcast_in_dim3A_8) -> (vector<16xf32>, vector<16xi32>)  : i32 {
      %mul3A_24 = arith.constant 16 : i32
      %mul3A_25 = arith.muli %scan3A_21, %mul3A_24 : i32
      %get3A = arith.index_cast %mul3A_25 : i32 to index
      %get3A_26 = tpu.vector_load %arg5[%get3A] {strides = array<i32>} : memref<6688xf32, #tpu.memory_space<vmem>>, vector<16xf32>,
      %get3A_27 = vector.shape_cast %get3A_26 : vector<16xf32> to vector<16xf32>
      %mul3A_28 = arith.constant 16 : i32
      %mul3A_29 = arith.muli %scan3A_21, %mul3A_28 : i32
      %add3A_30 = arith.addi %multiple_of3A, %mul3A_29 : i32
      %add3A_31 = vector.broadcast %add3A_30 : i32 to vector<16xi32>
      %add3A_32 = arith.addi %add3A_31, %iota3A : vector<16xi32>
      %broadcast_in_dim3A_33 = arith.constant 0 : i32
      %broadcast_in_dim3A_34 = vector.broadcast %broadcast_in_dim3A_33 : i32 to vector<16xi32>
      %add3A_35 = arith.constant 42 : i32
      %add3A_36 = vector.broadcast %add3A_35 : i32 to vector<16xi32>
      %add3A_37 = arith.addi %add3A_32, %add3A_36 : vector<16xi32>
      %add3A_38 = arith.addi %broadcast_in_dim3A_34, %add3A_37 : vector<16xi32>
      %shift_left3A = arith.constant 13 : i32
      %shift_left3A_39 = vector.broadcast %shift_left3A : i32 to vector<16xi32>
      %shift_left3A_40 = arith.shli %add3A_37, %shift_left3A_39 : vector<16xi32>
      %shift_right_logical3A = arith.constant 19 : i32
      %shift_right_logical3A_41 = vector.broadcast %shift_right_logical3A : i32 to vector<16xi32>
      %shift_right_logical3A_42 = arith.shrui %add3A_37, %shift_right_logical3A_41 : vector<16xi32>
      %or3A = arith.ori %shift_left3A_40, %shift_right_logical3A_42 : vector<16xi32>
      %xor3A = arith.xori %add3A_38, %or3A : vector<16xi32>
      %add3A_43 = arith.addi %add3A_38, %xor3A : vector<16xi32>
      %shift_left3A_44 = arith.constant 15 : i32
      %shift_left3A_45 = vector.broadcast %shift_left3A_44 : i32 to vector<16xi32>
      %shift_left3A_46 = arith.shli %xor3A, %shift_left3A_45 : vector<16xi32>
      %shift_right_logical3A_47 = arith.constant 17 : i32
      %shift_right_logical3A_48 = vector.broadcast %shift_right_logical3A_47 : i32 to vector<16xi32>
      %shift_right_logical3A_49 = arith.shrui %xor3A, %shift_right_logical3A_48 : vector<16xi32>
      %or3A_50 = arith.ori %shift_left3A_46, %shift_right_logical3A_49 : vector<16xi32>
      %xor3A_51 = arith.xori %add3A_43, %or3A_50 : vector<16xi32>
      %add3A_52 = arith.addi %add3A_43, %xor3A_51 : vector<16xi32>
      %shift_left3A_53 = arith.constant 26 : i32
      %shift_left3A_54 = vector.broadcast %shift_left3A_53 : i32 to vector<16xi32>
      %shift_left3A_55 = arith.shli %xor3A_51, %shift_left3A_54 : vector<16xi32>
      %shift_right_logical3A_56 = arith.constant 6 : i32
      %shift_right_logical3A_57 = vector.broadcast %shift_right_logical3A_56 : i32 to vector<16xi32>
      %shift_right_logical3A_58 = arith.shrui %xor3A_51, %shift_right_logical3A_57 : vector<16xi32>
      %or3A_59 = arith.ori %shift_left3A_55, %shift_right_logical3A_58 : vector<16xi32>
      %xor3A_60 = arith.xori %add3A_52, %or3A_59 : vector<16xi32>
      %add3A_61 = arith.addi %add3A_52, %xor3A_60 : vector<16xi32>
      %shift_left3A_62 = arith.constant 6 : i32
      %shift_left3A_63 = vector.broadcast %shift_left3A_62 : i32 to vector<16xi32>
      %shift_left3A_64 = arith.shli %xor3A_60, %shift_left3A_63 : vector<16xi32>
      %shift_right_logical3A_65 = arith.constant 26 : i32
      %shift_right_logical3A_66 = vector.broadcast %shift_right_logical3A_65 : i32 to vector<16xi32>
      %shift_right_logical3A_67 = arith.shrui %xor3A_60, %shift_right_logical3A_66 : vector<16xi32>
      %or3A_68 = arith.ori %shift_left3A_64, %shift_right_logical3A_67 : vector<16xi32>
      %xor3A_69 = arith.xori %add3A_61, %or3A_68 : vector<16xi32>
      %add3A_70 = arith.constant 42 : i32
      %add3A_71 = vector.broadcast %add3A_70 : i32 to vector<16xi32>
      %add3A_72 = arith.addi %add3A_61, %add3A_71 : vector<16xi32>
      %add3A_73 = arith.constant 466689008 : i32
      %add3A_74 = vector.broadcast %add3A_73 : i32 to vector<16xi32>
      %add3A_75 = arith.addi %xor3A_69, %add3A_74 : vector<16xi32>
      %add3A_76 = arith.constant 1 : i32
      %add3A_77 = vector.broadcast %add3A_76 : i32 to vector<16xi32>
      %add3A_78 = arith.addi %add3A_75, %add3A_77 : vector<16xi32>
      %add3A_79 = arith.addi %add3A_72, %add3A_78 : vector<16xi32>
      %shift_left3A_80 = arith.constant 17 : i32
      %shift_left3A_81 = vector.broadcast %shift_left3A_80 : i32 to vector<16xi32>
      %shift_left3A_82 = arith.shli %add3A_78, %shift_left3A_81 : vector<16xi32>
      %shift_right_logical3A_83 = arith.constant 15 : i32
      %shift_right_logical3A_84 = vector.broadcast %shift_right_logical3A_83 : i32 to vector<16xi32>
      %shift_right_logical3A_85 = arith.shrui %add3A_78, %shift_right_logical3A_84 : vector<16xi32>
      %or3A_86 = arith.ori %shift_left3A_82, %shift_right_logical3A_85 : vector<16xi32>
      %xor3A_87 = arith.xori %add3A_79, %or3A_86 : vector<16xi32>
      %add3A_88 = arith.addi %add3A_79, %xor3A_87 : vector<16xi32>
      %shift_left3A_89 = arith.constant 29 : i32
      %shift_left3A_90 = vector.broadcast %shift_left3A_89 : i32 to vector<16xi32>
      %shift_left3A_91 = arith.shli %xor3A_87, %shift_left3A_90 : vector<16xi32>
      %shift_right_logical3A_92 = arith.constant 3 : i32
      %shift_right_logical3A_93 = vector.broadcast %shift_right_logical3A_92 : i32 to vector<16xi32>
      %shift_right_logical3A_94 = arith.shrui %xor3A_87, %shift_right_logical3A_93 : vector<16xi32>
      %or3A_95 = arith.ori %shift_left3A_91, %shift_right_logical3A_94 : vector<16xi32>
      %xor3A_96 = arith.xori %add3A_88, %or3A_95 : vector<16xi32>
      %add3A_97 = arith.addi %add3A_88, %xor3A_96 : vector<16xi32>
      %shift_left3A_98 = arith.constant 16 : i32
      %shift_left3A_99 = vector.broadcast %shift_left3A_98 : i32 to vector<16xi32>
      %shift_left3A_100 = arith.shli %xor3A_96, %shift_left3A_99 : vector<16xi32>
      %shift_right_logical3A_101 = arith.constant 16 : i32
      %shift_right_logical3A_102 = vector.broadcast %shift_right_logical3A_101 : i32 to vector<16xi32>
      %shift_right_logical3A_103 = arith.shrui %xor3A_96, %shift_right_logical3A_102 : vector<16xi32>
      %or3A_104 = arith.ori %shift_left3A_100, %shift_right_logical3A_103 : vector<16xi32>
      %xor3A_105 = arith.xori %add3A_97, %or3A_104 : vector<16xi32>
      %add3A_106 = arith.addi %add3A_97, %xor3A_105 : vector<16xi32>
      %shift_left3A_107 = arith.constant 24 : i32
      %shift_left3A_108 = vector.broadcast %shift_left3A_107 : i32 to vector<16xi32>
      %shift_left3A_109 = arith.shli %xor3A_105, %shift_left3A_108 : vector<16xi32>
      %shift_right_logical3A_110 = arith.constant 8 : i32
      %shift_right_logical3A_111 = vector.broadcast %shift_right_logical3A_110 : i32 to vector<16xi32>
      %shift_right_logical3A_112 = arith.shrui %xor3A_105, %shift_right_logical3A_111 : vector<16xi32>
      %or3A_113 = arith.ori %shift_left3A_109, %shift_right_logical3A_112 : vector<16xi32>
      %xor3A_114 = arith.xori %add3A_106, %or3A_113 : vector<16xi32>
      %add3A_115 = arith.constant 466689008 : i32
      %add3A_116 = vector.broadcast %add3A_115 : i32 to vector<16xi32>
      %add3A_117 = arith.addi %add3A_106, %add3A_116 : vector<16xi32>
      %add3A_118 = arith.constant 0 : i32
      %add3A_119 = vector.broadcast %add3A_118 : i32 to vector<16xi32>
      %add3A_120 = arith.addi %xor3A_114, %add3A_119 : vector<16xi32>
      %add3A_121 = arith.constant 2 : i32
      %add3A_122 = vector.broadcast %add3A_121 : i32 to vector<16xi32>
      %add3A_123 = arith.addi %add3A_120, %add3A_122 : vector<16xi32>
      %add3A_124 = arith.addi %add3A_117, %add3A_123 : vector<16xi32>
      %shift_left3A_125 = arith.constant 13 : i32
      %shift_left3A_126 = vector.broadcast %shift_left3A_125 : i32 to vector<16xi32>
      %shift_left3A_127 = arith.shli %add3A_123, %shift_left3A_126 : vector<16xi32>
      %shift_right_logical3A_128 = arith.constant 19 : i32
      %shift_right_logical3A_129 = vector.broadcast %shift_right_logical3A_128 : i32 to vector<16xi32>
      %shift_right_logical3A_130 = arith.shrui %add3A_123, %shift_right_logical3A_129 : vector<16xi32>
      %or3A_131 = arith.ori %shift_left3A_127, %shift_right_logical3A_130 : vector<16xi32>
      %xor3A_132 = arith.xori %add3A_124, %or3A_131 : vector<16xi32>
      %add3A_133 = arith.addi %add3A_124, %xor3A_132 : vector<16xi32>
      %shift_left3A_134 = arith.constant 15 : i32
      %shift_left3A_135 = vector.broadcast %shift_left3A_134 : i32 to vector<16xi32>
      %shift_left3A_136 = arith.shli %xor3A_132, %shift_left3A_135 : vector<16xi32>
      %shift_right_logical3A_137 = arith.constant 17 : i32
      %shift_right_logical3A_138 = vector.broadcast %shift_right_logical3A_137 : i32 to vector<16xi32>
      %shift_right_logical3A_139 = arith.shrui %xor3A_132, %shift_right_logical3A_138 : vector<16xi32>
      %or3A_140 = arith.ori %shift_left3A_136, %shift_right_logical3A_139 : vector<16xi32>
      %xor3A_141 = arith.xori %add3A_133, %or3A_140 : vector<16xi32>
      %add3A_142 = arith.addi %add3A_133, %xor3A_141 : vector<16xi32>
      %shift_left3A_143 = arith.constant 26 : i32
      %shift_left3A_144 = vector.broadcast %shift_left3A_143 : i32 to vector<16xi32>
      %shift_left3A_145 = arith.shli %xor3A_141, %shift_left3A_144 : vector<16xi32>
      %shift_right_logical3A_146 = arith.constant 6 : i32
      %shift_right_logical3A_147 = vector.broadcast %shift_right_logical3A_146 : i32 to vector<16xi32>
      %shift_right_logical3A_148 = arith.shrui %xor3A_141, %shift_right_logical3A_147 : vector<16xi32>
      %or3A_149 = arith.ori %shift_left3A_145, %shift_right_logical3A_148 : vector<16xi32>
      %xor3A_150 = arith.xori %add3A_142, %or3A_149 : vector<16xi32>
      %add3A_151 = arith.addi %add3A_142, %xor3A_150 : vector<16xi32>
      %shift_left3A_152 = arith.constant 6 : i32
      %shift_left3A_153 = vector.broadcast %shift_left3A_152 : i32 to vector<16xi32>
      %shift_left3A_154 = arith.shli %xor3A_150, %shift_left3A_153 : vector<16xi32>
      %shift_right_logical3A_155 = arith.constant 26 : i32
      %shift_right_logical3A_156 = vector.broadcast %shift_right_logical3A_155 : i32 to vector<16xi32>
      %shift_right_logical3A_157 = arith.shrui %xor3A_150, %shift_right_logical3A_156 : vector<16xi32>
      %or3A_158 = arith.ori %shift_left3A_154, %shift_right_logical3A_157 : vector<16xi32>
      %xor3A_159 = arith.xori %add3A_151, %or3A_158 : vector<16xi32>
      %add3A_160 = arith.constant 0 : i32
      %add3A_161 = vector.broadcast %add3A_160 : i32 to vector<16xi32>
      %add3A_162 = arith.addi %add3A_151, %add3A_161 : vector<16xi32>
      %add3A_163 = arith.constant 42 : i32
      %add3A_164 = vector.broadcast %add3A_163 : i32 to vector<16xi32>
      %add3A_165 = arith.addi %xor3A_159, %add3A_164 : vector<16xi32>
      %add3A_166 = arith.constant 3 : i32
      %add3A_167 = vector.broadcast %add3A_166 : i32 to vector<16xi32>
      %add3A_168 = arith.addi %add3A_165, %add3A_167 : vector<16xi32>
      %add3A_169 = arith.addi %add3A_162, %add3A_168 : vector<16xi32>
      %shift_left3A_170 = arith.constant 17 : i32
      %shift_left3A_171 = vector.broadcast %shift_left3A_170 : i32 to vector<16xi32>
      %shift_left3A_172 = arith.shli %add3A_168, %shift_left3A_171 : vector<16xi32>
      %shift_right_logical3A_173 = arith.constant 15 : i32
      %shift_right_logical3A_174 = vector.broadcast %shift_right_logical3A_173 : i32 to vector<16xi32>
      %shift_right_logical3A_175 = arith.shrui %add3A_168, %shift_right_logical3A_174 : vector<16xi32>
      %or3A_176 = arith.ori %shift_left3A_172, %shift_right_logical3A_175 : vector<16xi32>
      %xor3A_177 = arith.xori %add3A_169, %or3A_176 : vector<16xi32>
      %add3A_178 = arith.addi %add3A_169, %xor3A_177 : vector<16xi32>
      %shift_left3A_179 = arith.constant 29 : i32
      %shift_left3A_180 = vector.broadcast %shift_left3A_179 : i32 to vector<16xi32>
      %shift_left3A_181 = arith.shli %xor3A_177, %shift_left3A_180 : vector<16xi32>
      %shift_right_logical3A_182 = arith.constant 3 : i32
      %shift_right_logical3A_183 = vector.broadcast %shift_right_logical3A_182 : i32 to vector<16xi32>
      %shift_right_logical3A_184 = arith.shrui %xor3A_177, %shift_right_logical3A_183 : vector<16xi32>
      %or3A_185 = arith.ori %shift_left3A_181, %shift_right_logical3A_184 : vector<16xi32>
      %xor3A_186 = arith.xori %add3A_178, %or3A_185 : vector<16xi32>
      %add3A_187 = arith.addi %add3A_178, %xor3A_186 : vector<16xi32>
      %shift_left3A_188 = arith.constant 16 : i32
      %shift_left3A_189 = vector.broadcast %shift_left3A_188 : i32 to vector<16xi32>
      %shift_left3A_190 = arith.shli %xor3A_186, %shift_left3A_189 : vector<16xi32>
      %shift_right_logical3A_191 = arith.constant 16 : i32
      %shift_right_logical3A_192 = vector.broadcast %shift_right_logical3A_191 : i32 to vector<16xi32>
      %shift_right_logical3A_193 = arith.shrui %xor3A_186, %shift_right_logical3A_192 : vector<16xi32>
      %or3A_194 = arith.ori %shift_left3A_190, %shift_right_logical3A_193 : vector<16xi32>
      %xor3A_195 = arith.xori %add3A_187, %or3A_194 : vector<16xi32>
      %add3A_196 = arith.addi %add3A_187, %xor3A_195 : vector<16xi32>
      %shift_left3A_197 = arith.constant 24 : i32
      %shift_left3A_198 = vector.broadcast %shift_left3A_197 : i32 to vector<16xi32>
      %shift_left3A_199 = arith.shli %xor3A_195, %shift_left3A_198 : vector<16xi32>
      %shift_right_logical3A_200 = arith.constant 8 : i32
      %shift_right_logical3A_201 = vector.broadcast %shift_right_logical3A_200 : i32 to vector<16xi32>
      %shift_right_logical3A_202 = arith.shrui %xor3A_195, %shift_right_logical3A_201 : vector<16xi32>
      %or3A_203 = arith.ori %shift_left3A_199, %shift_right_logical3A_202 : vector<16xi32>
      %xor3A_204 = arith.xori %add3A_196, %or3A_203 : vector<16xi32>
      %add3A_205 = arith.constant 42 : i32
      %add3A_206 = vector.broadcast %add3A_205 : i32 to vector<16xi32>
      %add3A_207 = arith.addi %add3A_196, %add3A_206 : vector<16xi32>
      %add3A_208 = arith.constant 466689008 : i32
      %add3A_209 = vector.broadcast %add3A_208 : i32 to vector<16xi32>
      %add3A_210 = arith.addi %xor3A_204, %add3A_209 : vector<16xi32>
      %add3A_211 = arith.constant 4 : i32
      %add3A_212 = vector.broadcast %add3A_211 : i32 to vector<16xi32>
      %add3A_213 = arith.addi %add3A_210, %add3A_212 : vector<16xi32>
      %add3A_214 = arith.addi %add3A_207, %add3A_213 : vector<16xi32>
      %shift_left3A_215 = arith.constant 13 : i32
      %shift_left3A_216 = vector.broadcast %shift_left3A_215 : i32 to vector<16xi32>
      %shift_left3A_217 = arith.shli %add3A_213, %shift_left3A_216 : vector<16xi32>
      %shift_right_logical3A_218 = arith.constant 19 : i32
      %shift_right_logical3A_219 = vector.broadcast %shift_right_logical3A_218 : i32 to vector<16xi32>
      %shift_right_logical3A_220 = arith.shrui %add3A_213, %shift_right_logical3A_219 : vector<16xi32>
      %or3A_221 = arith.ori %shift_left3A_217, %shift_right_logical3A_220 : vector<16xi32>
      %xor3A_222 = arith.xori %add3A_214, %or3A_221 : vector<16xi32>
      %add3A_223 = arith.addi %add3A_214, %xor3A_222 : vector<16xi32>
      %shift_left3A_224 = arith.constant 15 : i32
      %shift_left3A_225 = vector.broadcast %shift_left3A_224 : i32 to vector<16xi32>
      %shift_left3A_226 = arith.shli %xor3A_222, %shift_left3A_225 : vector<16xi32>
      %shift_right_logical3A_227 = arith.constant 17 : i32
      %shift_right_logical3A_228 = vector.broadcast %shift_right_logical3A_227 : i32 to vector<16xi32>
      %shift_right_logical3A_229 = arith.shrui %xor3A_222, %shift_right_logical3A_228 : vector<16xi32>
      %or3A_230 = arith.ori %shift_left3A_226, %shift_right_logical3A_229 : vector<16xi32>
      %xor3A_231 = arith.xori %add3A_223, %or3A_230 : vector<16xi32>
      %add3A_232 = arith.addi %add3A_223, %xor3A_231 : vector<16xi32>
      %shift_left3A_233 = arith.constant 26 : i32
      %shift_left3A_234 = vector.broadcast %shift_left3A_233 : i32 to vector<16xi32>
      %shift_left3A_235 = arith.shli %xor3A_231, %shift_left3A_234 : vector<16xi32>
      %shift_right_logical3A_236 = arith.constant 6 : i32
      %shift_right_logical3A_237 = vector.broadcast %shift_right_logical3A_236 : i32 to vector<16xi32>
      %shift_right_logical3A_238 = arith.shrui %xor3A_231, %shift_right_logical3A_237 : vector<16xi32>
      %or3A_239 = arith.ori %shift_left3A_235, %shift_right_logical3A_238 : vector<16xi32>
      %xor3A_240 = arith.xori %add3A_232, %or3A_239 : vector<16xi32>
      %add3A_241 = arith.addi %add3A_232, %xor3A_240 : vector<16xi32>
      %shift_left3A_242 = arith.constant 6 : i32
      %shift_left3A_243 = vector.broadcast %shift_left3A_242 : i32 to vector<16xi32>
      %shift_left3A_244 = arith.shli %xor3A_240, %shift_left3A_243 : vector<16xi32>
      %shift_right_logical3A_245 = arith.constant 26 : i32
      %shift_right_logical3A_246 = vector.broadcast %shift_right_logical3A_245 : i32 to vector<16xi32>
      %shift_right_logical3A_247 = arith.shrui %xor3A_240, %shift_right_logical3A_246 : vector<16xi32>
      %or3A_248 = arith.ori %shift_left3A_244, %shift_right_logical3A_247 : vector<16xi32>
      %xor3A_249 = arith.xori %add3A_241, %or3A_248 : vector<16xi32>
      %add3A_250 = arith.constant 466689008 : i32
      %add3A_251 = vector.broadcast %add3A_250 : i32 to vector<16xi32>
      %add3A_252 = arith.addi %add3A_241, %add3A_251 : vector<16xi32>
      %add3A_253 = arith.constant 0 : i32
      %add3A_254 = vector.broadcast %add3A_253 : i32 to vector<16xi32>
      %add3A_255 = arith.addi %xor3A_249, %add3A_254 : vector<16xi32>
      %add3A_256 = arith.constant 5 : i32
      %add3A_257 = vector.broadcast %add3A_256 : i32 to vector<16xi32>
      %add3A_258 = arith.addi %add3A_255, %add3A_257 : vector<16xi32>
      %xor3A_259 = arith.xori %add3A_252, %add3A_258 : vector<16xi32>
      %shift_right_logical3A_260 = arith.constant 9 : i32
      %shift_right_logical3A_261 = vector.broadcast %shift_right_logical3A_260 : i32 to vector<16xi32>
      %shift_right_logical3A_262 = arith.shrui %xor3A_259, %shift_right_logical3A_261 : vector<16xi32>
      %or3A_263 = arith.constant 1065353216 : i32
      %or3A_264 = vector.broadcast %or3A_263 : i32 to vector<16xi32>
      %or3A_265 = arith.ori %shift_right_logical3A_262, %or3A_264 : vector<16xi32>
      %bitcast_convert_type3A = tpu.bitcast %or3A_265 : vector<16xi32> -> vector<16xf32>
      %sub3A = arith.constant 1.000000e+00 : f32
      %sub3A_266 = vector.broadcast %sub3A : f32 to vector<16xf32>
      %sub3A_267 = arith.subf %bitcast_convert_type3A, %sub3A_266 : vector<16xf32>
      %max3A = arith.constant 1.17549435E-38 : f32
      %max3A_268 = vector.broadcast %max3A : f32 to vector<16xf32>
      %max3A_269 = arith.maximumf %sub3A_267, %max3A_268 : vector<16xf32>
      %bitcast_convert_type3A_270 = tpu.bitcast %max3A_269 : vector<16xf32> -> vector<16xi32>
      %shift_right_logical3A_271 = arith.constant 23 : i32
      %shift_right_logical3A_272 = vector.broadcast %shift_right_logical3A_271 : i32 to vector<16xi32>
      %shift_right_logical3A_273 = arith.shrui %bitcast_convert_type3A_270, %shift_right_logical3A_272 : vector<16xi32>
      %sub3A_274 = arith.constant 127 : i32
      %sub3A_275 = vector.broadcast %sub3A_274 : i32 to vector<16xi32>
      %sub3A_276 = arith.subi %shift_right_logical3A_273, %sub3A_275 : vector<16xi32>
      %and3A = arith.constant 8388607 : i32
      %and3A_277 = vector.broadcast %and3A : i32 to vector<16xi32>
      %and3A_278 = arith.andi %bitcast_convert_type3A_270, %and3A_277 : vector<16xi32>
      %or3A_279 = arith.constant 1065353216 : i32
      %or3A_280 = vector.broadcast %or3A_279 : i32 to vector<16xi32>
      %or3A_281 = arith.ori %and3A_278, %or3A_280 : vector<16xi32>
      %bitcast_convert_type3A_282 = tpu.bitcast %or3A_281 : vector<16xi32> -> vector<16xf32>
      %gt3A = arith.constant 1.41421354 : f32
      %gt3A_283 = vector.broadcast %gt3A : f32 to vector<16xf32>
      %gt3A_284 = arith.cmpf ogt, %bitcast_convert_type3A_282, %gt3A_283 : vector<16xf32>
      %mul3A_285 = arith.constant 5.000000e-01 : f32
      %mul3A_286 = vector.broadcast %mul3A_285 : f32 to vector<16xf32>
      %mul3A_287 = arith.mulf %bitcast_convert_type3A_282, %mul3A_286 : vector<16xf32>
      %select_n3A = arith.select %gt3A_284, %mul3A_287, %bitcast_convert_type3A_282 : vector<16xi1>, vector<16xf32>
      %add3A_288 = arith.constant 1 : i32
      %add3A_289 = vector.broadcast %add3A_288 : i32 to vector<16xi32>
      %add3A_290 = arith.addi %sub3A_276, %add3A_289 : vector<16xi32>
      %select_n3A_291 = arith.select %gt3A_284, %add3A_290, %sub3A_276 : vector<16xi1>, vector<16xi32>
      %sub3A_292 = arith.constant 1.000000e+00 : f32
      %sub3A_293 = vector.broadcast %sub3A_292 : f32 to vector<16xf32>
      %sub3A_294 = arith.subf %select_n3A, %sub3A_293 : vector<16xf32>
      %add3A_295 = arith.constant 1.000000e+00 : f32
      %add3A_296 = vector.broadcast %add3A_295 : f32 to vector<16xf32>
      %add3A_297 = arith.addf %select_n3A, %add3A_296 : vector<16xf32>
      %div3A = arith.divf %sub3A_294, %add3A_297 : vector<16xf32>
      %mul3A_298 = arith.mulf %div3A, %div3A : vector<16xf32>
      %mul3A_299 = arith.constant 0.111111112 : f32
      %mul3A_300 = vector.broadcast %mul3A_299 : f32 to vector<16xf32>
      %mul3A_301 = arith.mulf %mul3A_298, %mul3A_300 : vector<16xf32>
      %add3A_302 = arith.constant 0.142857149 : f32
      %add3A_303 = vector.broadcast %add3A_302 : f32 to vector<16xf32>
      %add3A_304 = arith.addf %add3A_303, %mul3A_301 : vector<16xf32>
      %mul3A_305 = arith.mulf %mul3A_298, %add3A_304 : vector<16xf32>
      %add3A_306 = arith.constant 2.000000e-01 : f32
      %add3A_307 = vector.broadcast %add3A_306 : f32 to vector<16xf32>
      %add3A_308 = arith.addf %add3A_307, %mul3A_305 : vector<16xf32>
      %mul3A_309 = arith.mulf %mul3A_298, %add3A_308 : vector<16xf32>
      %add3A_310 = arith.constant 0.333333343 : f32
      %add3A_311 = vector.broadcast %add3A_310 : f32 to vector<16xf32>
      %add3A_312 = arith.addf %add3A_311, %mul3A_309 : vector<16xf32>
      %mul3A_313 = arith.mulf %mul3A_298, %add3A_312 : vector<16xf32>
      %add3A_314 = arith.constant 1.000000e+00 : f32
      %add3A_315 = vector.broadcast %add3A_314 : f32 to vector<16xf32>
      %add3A_316 = arith.addf %add3A_315, %mul3A_313 : vector<16xf32>
      %mul3A_317 = arith.mulf %div3A, %add3A_316 : vector<16xf32>
      %convert_element_type3A = arith.sitofp %select_n3A_291 : vector<16xi32> to vector<16xf32>
      %mul3A_318 = arith.constant 0.693147182 : f32
      %mul3A_319 = vector.broadcast %mul3A_318 : f32 to vector<16xf32>
      %mul3A_320 = arith.mulf %convert_element_type3A, %mul3A_319 : vector<16xf32>
      %mul3A_321 = arith.constant 2.000000e+00 : f32
      %mul3A_322 = vector.broadcast %mul3A_321 : f32 to vector<16xf32>
      %mul3A_323 = arith.mulf %mul3A_322, %mul3A_317 : vector<16xf32>
      %add3A_324 = arith.addf %mul3A_320, %mul3A_323 : vector<16xf32>
      %neg3A = arith.constant 0.000000e+00 : f32
      %neg3A_325 = vector.broadcast %neg3A : f32 to vector<16xf32>
      %neg3A_326 = arith.subf %neg3A_325, %add3A_324 : vector<16xf32>
      %div3A_327 = arith.divf %get3A_27, %neg3A_326 : vector<16xf32>
      %gt3A_328 = arith.cmpf ogt, %div3A_327, %scan3A_22 : vector<16xf32>
      %select_n3A_329 = arith.select %gt3A_328, %div3A_327, %scan3A_22 : vector<16xi1>, vector<16xf32>
      %select_n3A_330 = arith.select %gt3A_328, %add3A_32, %scan3A_23 : vector<16xi1>, vector<16xi32>
      scf.yield %select_n3A_329, %select_n3A_330 : vector<16xf32>, vector<16xi32>
    }
    %scan3A_13 = arith.constant 418 : i32
    %swap3A = arith.constant 0 : index
    %swap3A_14 = tpu.vector_load %arg6[%swap3A] {strides = array<i32>} : memref<16xf32, #tpu.memory_space<vmem>>, vector<16xf32>,
    %swap3A_15 = vector.shape_cast %swap3A_14 : vector<16xf32> to vector<16xf32>
    %swap3A_16 = vector.shape_cast %scan3A_12#0 : vector<16xf32> to vector<16xf32>
    tpu.vector_store %arg6[%swap3A], %swap3A_16 {strides = array<i32>} : memref<16xf32, #tpu.memory_space<vmem>>, vector<16xf32>,
    %swap3A_17 = arith.constant 0 : index
    %swap3A_18 = tpu.vector_load %arg7[%swap3A_17] {strides = array<i32>} : memref<16xi32, #tpu.memory_space<vmem>>, vector<16xi32>,
    %swap3A_19 = vector.shape_cast %swap3A_18 : vector<16xi32> to vector<16xi32>
    %swap3A_20 = vector.shape_cast %scan3A_12#1 : vector<16xi32> to vector<16xi32>
    tpu.vector_store %arg7[%swap3A_17], %swap3A_20 {strides = array<i32>} : memref<16xi32, #tpu.memory_space<vmem>>, vector<16xi32>,
    "tpu.region"() ({
      %run_scoped3A = tpu.sem_alloc : memref<!tpu.dma_semaphore, #tpu.memory_space<semaphore_mem>>
      %dma_start3A = arith.constant 0 : i32
      %dma_start3A_21 = tpu.memref_slice %arg3[%add3A, %dma_start3A] : memref<32x16xf32, #tpu.memory_space<hbm>> -> memref<1x16xf32, #tpu.memory_space<hbm>>
      %dma_start3A_22 = tpu.memref_squeeze %dma_start3A_21 : memref<1x16xf32, #tpu.memory_space<hbm>> -> memref<16xf32, #tpu.memory_space<hbm>>
      %dma_start3A_23 = arith.constant 0 : i32
      %dma_start3A_24 = tpu.memref_slice %arg3[%add3A, %dma_start3A_23] : memref<32x16xf32, #tpu.memory_space<hbm>> -> memref<1x16xf32, #tpu.memory_space<hbm>>
      %dma_start3A_25 = tpu.memref_squeeze %dma_start3A_24 : memref<1x16xf32, #tpu.memory_space<hbm>> -> memref<16xf32, #tpu.memory_space<hbm>>
      tpu.enqueue_dma source(%arg6 : memref<16xf32, #tpu.memory_space<vmem>>) target(%dma_start3A_25 : memref<16xf32, #tpu.memory_space<hbm>>) target_semaphore(%run_scoped3A : memref<!tpu.dma_semaphore, #tpu.memory_space<semaphore_mem>>)
      %dma_wait3A = arith.constant 0 : i32
      %dma_wait3A_26 = tpu.memref_slice %arg3[%add3A, %dma_wait3A] : memref<32x16xf32, #tpu.memory_space<hbm>> -> memref<1x16xf32, #tpu.memory_space<hbm>>
      %dma_wait3A_27 = tpu.memref_squeeze %dma_wait3A_26 : memref<1x16xf32, #tpu.memory_space<hbm>> -> memref<16xf32, #tpu.memory_space<hbm>>
      %dma_wait3A_28 = arith.constant 0 : i32
      %dma_wait3A_29 = tpu.memref_slice %arg3[%add3A, %dma_wait3A_28] : memref<32x16xf32, #tpu.memory_space<hbm>> -> memref<1x16xf32, #tpu.memory_space<hbm>>
      %dma_wait3A_30 = tpu.memref_squeeze %dma_wait3A_29 : memref<1x16xf32, #tpu.memory_space<hbm>> -> memref<16xf32, #tpu.memory_space<hbm>>
      tpu.wait_dma2 semaphore(%run_scoped3A : memref<!tpu.dma_semaphore, #tpu.memory_space<semaphore_mem>>) src(%arg6 : memref<16xf32, #tpu.memory_space<vmem>>) dst(%dma_wait3A_30 : memref<16xf32, #tpu.memory_space<hbm>>)
      tpu.yield
    }) : () -> ()
    "tpu.region"() ({
      %run_scoped3A = tpu.sem_alloc : memref<!tpu.dma_semaphore, #tpu.memory_space<semaphore_mem>>
      %dma_start3A = arith.constant 0 : i32
      %dma_start3A_21 = tpu.memref_slice %arg4[%add3A, %dma_start3A] : memref<32x16xi32, #tpu.memory_space<hbm>> -> memref<1x16xi32, #tpu.memory_space<hbm>>
      %dma_start3A_22 = tpu.memref_squeeze %dma_start3A_21 : memref<1x16xi32, #tpu.memory_space<hbm>> -> memref<16xi32, #tpu.memory_space<hbm>>
      %dma_start3A_23 = arith.constant 0 : i32
      %dma_start3A_24 = tpu.memref_slice %arg4[%add3A, %dma_start3A_23] : memref<32x16xi32, #tpu.memory_space<hbm>> -> memref<1x16xi32, #tpu.memory_space<hbm>>
      %dma_start3A_25 = tpu.memref_squeeze %dma_start3A_24 : memref<1x16xi32, #tpu.memory_space<hbm>> -> memref<16xi32, #tpu.memory_space<hbm>>
      tpu.enqueue_dma source(%arg7 : memref<16xi32, #tpu.memory_space<vmem>>) target(%dma_start3A_25 : memref<16xi32, #tpu.memory_space<hbm>>) target_semaphore(%run_scoped3A : memref<!tpu.dma_semaphore, #tpu.memory_space<semaphore_mem>>)
      %dma_wait3A = arith.constant 0 : i32
      %dma_wait3A_26 = tpu.memref_slice %arg4[%add3A, %dma_wait3A] : memref<32x16xi32, #tpu.memory_space<hbm>> -> memref<1x16xi32, #tpu.memory_space<hbm>>
      %dma_wait3A_27 = tpu.memref_squeeze %dma_wait3A_26 : memref<1x16xi32, #tpu.memory_space<hbm>> -> memref<16xi32, #tpu.memory_space<hbm>>
      %dma_wait3A_28 = arith.constant 0 : i32
      %dma_wait3A_29 = tpu.memref_slice %arg4[%add3A, %dma_wait3A_28] : memref<32x16xi32, #tpu.memory_space<hbm>> -> memref<1x16xi32, #tpu.memory_space<hbm>>
      %dma_wait3A_30 = tpu.memref_squeeze %dma_wait3A_29 : memref<1x16xi32, #tpu.memory_space<hbm>> -> memref<16xi32, #tpu.memory_space<hbm>>
      tpu.wait_dma2 semaphore(%run_scoped3A : memref<!tpu.dma_semaphore, #tpu.memory_space<semaphore_mem>>) src(%arg7 : memref<16xi32, #tpu.memory_space<vmem>>) dst(%dma_wait3A_30 : memref<16xi32, #tpu.memory_space<hbm>>)
      tpu.yield
    }) : () -> ()
    return
  }
}

module attributes {stable_mosaic.version = 14 : i64} {
  func.func @_tc_body(%arg0: i32, %arg1: memref<256x1024xf32, #tpu.memory_space<vmem>>, %arg2: memref<1xi32, #tpu.memory_space<smem>>, %arg3: memref<1xf32, #tpu.memory_space<smem>>, %arg4: memref<8x1024xf32, #tpu.memory_space<vmem>>, %arg5: memref<8x1024xi32, #tpu.memory_space<vmem>>) attributes {dimension_semantics = [#tpu.dimension_semantics<arbitrary>], iteration_bounds = array<i64: 3>, scalar_prefetch = 0 : i64, scratch_operands = 2 : i64, tpu.core_type = #tpu.core_type<tc>, window_params = [{transform_indices = @transform_0, window_bounds = array<i64: 256, 1024>}, {transform_indices = @transform_1, window_bounds = array<i64: 1>}, {transform_indices = @transform_2, window_bounds = array<i64: 1>}]} {
    %iota3A = tpu.iota {dimensions = array<i32: 0>} : vector<8x1024xi32>
    %iota3A_0 = tpu.iota {dimensions = array<i32: 1>} : vector<8x1024xi32>
    %mul3A = arith.constant 256 : i32
    %mul3A_1 = arith.muli %arg0, %mul3A : i32
    %mul3A_2 = arith.constant 1024 : i32
    %mul3A_3 = arith.muli %mul3A_1, %mul3A_2 : i32
    %mul3A_4 = arith.constant 1024 : i32
    %mul3A_5 = vector.broadcast %mul3A_4 : i32 to vector<8x1024xi32>
    %mul3A_6 = arith.muli %iota3A, %mul3A_5 : vector<8x1024xi32>
    %add3A = vector.broadcast %mul3A_3 : i32 to vector<8x1024xi32>
    %add3A_7 = arith.addi %add3A, %mul3A_6 : vector<8x1024xi32>
    %add3A_8 = arith.addi %add3A_7, %iota3A_0 : vector<8x1024xi32>
    %eq3A = arith.constant 0 : i32
    %eq3A_9 = arith.cmpi eq, %arg0, %eq3A : i32
    %broadcast_in_dim3A = arith.constant 0xFF800000 : f32
    %broadcast_in_dim3A_10 = vector.broadcast %broadcast_in_dim3A : f32 to vector<8x1024xf32>
    %get3A = arith.constant 0 : index
    %get3A_11 = arith.constant 0 : index
    %get3A_12 = vector.load %arg4[%get3A, %get3A_11] : memref<8x1024xf32, #tpu.memory_space<vmem>>, vector<8x1024xf32>
    %select_n3A = arith.select %eq3A_9, %broadcast_in_dim3A_10, %get3A_12 : vector<8x1024xf32>
    %eq3A_13 = arith.constant 0 : i32
    %eq3A_14 = arith.cmpi eq, %arg0, %eq3A_13 : i32
    %broadcast_in_dim3A_15 = arith.constant 2147483647 : i32
    %broadcast_in_dim3A_16 = vector.broadcast %broadcast_in_dim3A_15 : i32 to vector<8x1024xi32>
    %get3A_17 = arith.constant 0 : index
    %get3A_18 = arith.constant 0 : index
    %get3A_19 = vector.load %arg5[%get3A_17, %get3A_18] : memref<8x1024xi32, #tpu.memory_space<vmem>>, vector<8x1024xi32>
    %select_n3A_20 = arith.select %eq3A_14, %broadcast_in_dim3A_16, %get3A_19 : vector<8x1024xi32>
    %scan3A = arith.constant 0 : i32
    %scan3A_21 = arith.constant 32 : i32
    %scan3A_22 = arith.addi %scan3A, %scan3A_21 : i32
    %scan3A_23 = arith.constant 4 : i32
    %scan3A_24:2 = scf.for %scan3A_34 = %scan3A to %scan3A_22 step %scan3A_23 iter_args(%scan3A_35 = %select_n3A, %scan3A_36 = %select_n3A_20) -> (vector<8x1024xf32>, vector<8x1024xi32>)  : i32 {
      %mul3A_37 = arith.constant 8192 : i32
      %mul3A_38 = arith.muli %scan3A_34, %mul3A_37 : i32
      %add3A_39 = vector.broadcast %mul3A_38 : i32 to vector<8x1024xi32>
      %add3A_40 = arith.addi %add3A_8, %add3A_39 : vector<8x1024xi32>
      %mul3A_41 = arith.constant 8 : i32
      %mul3A_42 = arith.muli %scan3A_34, %mul3A_41 : i32
      %get3A_43 = arith.index_cast %mul3A_42 : i32 to index
      %get3A_44 = arith.constant 0 : index
      %get3A_45 = vector.load %arg1[%get3A_43, %get3A_44] : memref<256x1024xf32, #tpu.memory_space<vmem>>, vector<8x1024xf32>
      %broadcast_in_dim3A_46 = arith.constant 0 : i32
      %broadcast_in_dim3A_47 = vector.broadcast %broadcast_in_dim3A_46 : i32 to vector<8x1024xi32>
      %add3A_48 = arith.constant 42 : i32
      %add3A_49 = vector.broadcast %add3A_48 : i32 to vector<8x1024xi32>
      %add3A_50 = arith.addi %add3A_40, %add3A_49 : vector<8x1024xi32>
      %add3A_51 = arith.addi %broadcast_in_dim3A_47, %add3A_50 : vector<8x1024xi32>
      %shift_left3A = arith.constant 13 : i32
      %shift_left3A_52 = vector.broadcast %shift_left3A : i32 to vector<8x1024xi32>
      %shift_left3A_53 = arith.shli %add3A_50, %shift_left3A_52 : vector<8x1024xi32>
      %shift_right_logical3A = arith.constant 19 : i32
      %shift_right_logical3A_54 = vector.broadcast %shift_right_logical3A : i32 to vector<8x1024xi32>
      %shift_right_logical3A_55 = arith.shrui %add3A_50, %shift_right_logical3A_54 : vector<8x1024xi32>
      %or3A = arith.ori %shift_left3A_53, %shift_right_logical3A_55 : vector<8x1024xi32>
      %xor3A = arith.xori %add3A_51, %or3A : vector<8x1024xi32>
      %add3A_56 = arith.addi %add3A_51, %xor3A : vector<8x1024xi32>
      %shift_left3A_57 = arith.constant 15 : i32
      %shift_left3A_58 = vector.broadcast %shift_left3A_57 : i32 to vector<8x1024xi32>
      %shift_left3A_59 = arith.shli %xor3A, %shift_left3A_58 : vector<8x1024xi32>
      %shift_right_logical3A_60 = arith.constant 17 : i32
      %shift_right_logical3A_61 = vector.broadcast %shift_right_logical3A_60 : i32 to vector<8x1024xi32>
      %shift_right_logical3A_62 = arith.shrui %xor3A, %shift_right_logical3A_61 : vector<8x1024xi32>
      %or3A_63 = arith.ori %shift_left3A_59, %shift_right_logical3A_62 : vector<8x1024xi32>
      %xor3A_64 = arith.xori %add3A_56, %or3A_63 : vector<8x1024xi32>
      %add3A_65 = arith.addi %add3A_56, %xor3A_64 : vector<8x1024xi32>
      %shift_left3A_66 = arith.constant 26 : i32
      %shift_left3A_67 = vector.broadcast %shift_left3A_66 : i32 to vector<8x1024xi32>
      %shift_left3A_68 = arith.shli %xor3A_64, %shift_left3A_67 : vector<8x1024xi32>
      %shift_right_logical3A_69 = arith.constant 6 : i32
      %shift_right_logical3A_70 = vector.broadcast %shift_right_logical3A_69 : i32 to vector<8x1024xi32>
      %shift_right_logical3A_71 = arith.shrui %xor3A_64, %shift_right_logical3A_70 : vector<8x1024xi32>
      %or3A_72 = arith.ori %shift_left3A_68, %shift_right_logical3A_71 : vector<8x1024xi32>
      %xor3A_73 = arith.xori %add3A_65, %or3A_72 : vector<8x1024xi32>
      %add3A_74 = arith.addi %add3A_65, %xor3A_73 : vector<8x1024xi32>
      %shift_left3A_75 = arith.constant 6 : i32
      %shift_left3A_76 = vector.broadcast %shift_left3A_75 : i32 to vector<8x1024xi32>
      %shift_left3A_77 = arith.shli %xor3A_73, %shift_left3A_76 : vector<8x1024xi32>
      %shift_right_logical3A_78 = arith.constant 26 : i32
      %shift_right_logical3A_79 = vector.broadcast %shift_right_logical3A_78 : i32 to vector<8x1024xi32>
      %shift_right_logical3A_80 = arith.shrui %xor3A_73, %shift_right_logical3A_79 : vector<8x1024xi32>
      %or3A_81 = arith.ori %shift_left3A_77, %shift_right_logical3A_80 : vector<8x1024xi32>
      %xor3A_82 = arith.xori %add3A_74, %or3A_81 : vector<8x1024xi32>
      %add3A_83 = arith.constant 42 : i32
      %add3A_84 = vector.broadcast %add3A_83 : i32 to vector<8x1024xi32>
      %add3A_85 = arith.addi %add3A_74, %add3A_84 : vector<8x1024xi32>
      %add3A_86 = arith.constant 466689008 : i32
      %add3A_87 = vector.broadcast %add3A_86 : i32 to vector<8x1024xi32>
      %add3A_88 = arith.addi %xor3A_82, %add3A_87 : vector<8x1024xi32>
      %add3A_89 = arith.constant 1 : i32
      %add3A_90 = vector.broadcast %add3A_89 : i32 to vector<8x1024xi32>
      %add3A_91 = arith.addi %add3A_88, %add3A_90 : vector<8x1024xi32>
      %add3A_92 = arith.addi %add3A_85, %add3A_91 : vector<8x1024xi32>
      %shift_left3A_93 = arith.constant 17 : i32
      %shift_left3A_94 = vector.broadcast %shift_left3A_93 : i32 to vector<8x1024xi32>
      %shift_left3A_95 = arith.shli %add3A_91, %shift_left3A_94 : vector<8x1024xi32>
      %shift_right_logical3A_96 = arith.constant 15 : i32
      %shift_right_logical3A_97 = vector.broadcast %shift_right_logical3A_96 : i32 to vector<8x1024xi32>
      %shift_right_logical3A_98 = arith.shrui %add3A_91, %shift_right_logical3A_97 : vector<8x1024xi32>
      %or3A_99 = arith.ori %shift_left3A_95, %shift_right_logical3A_98 : vector<8x1024xi32>
      %xor3A_100 = arith.xori %add3A_92, %or3A_99 : vector<8x1024xi32>
      %add3A_101 = arith.addi %add3A_92, %xor3A_100 : vector<8x1024xi32>
      %shift_left3A_102 = arith.constant 29 : i32
      %shift_left3A_103 = vector.broadcast %shift_left3A_102 : i32 to vector<8x1024xi32>
      %shift_left3A_104 = arith.shli %xor3A_100, %shift_left3A_103 : vector<8x1024xi32>
      %shift_right_logical3A_105 = arith.constant 3 : i32
      %shift_right_logical3A_106 = vector.broadcast %shift_right_logical3A_105 : i32 to vector<8x1024xi32>
      %shift_right_logical3A_107 = arith.shrui %xor3A_100, %shift_right_logical3A_106 : vector<8x1024xi32>
      %or3A_108 = arith.ori %shift_left3A_104, %shift_right_logical3A_107 : vector<8x1024xi32>
      %xor3A_109 = arith.xori %add3A_101, %or3A_108 : vector<8x1024xi32>
      %add3A_110 = arith.addi %add3A_101, %xor3A_109 : vector<8x1024xi32>
      %shift_left3A_111 = arith.constant 16 : i32
      %shift_left3A_112 = vector.broadcast %shift_left3A_111 : i32 to vector<8x1024xi32>
      %shift_left3A_113 = arith.shli %xor3A_109, %shift_left3A_112 : vector<8x1024xi32>
      %shift_right_logical3A_114 = arith.constant 16 : i32
      %shift_right_logical3A_115 = vector.broadcast %shift_right_logical3A_114 : i32 to vector<8x1024xi32>
      %shift_right_logical3A_116 = arith.shrui %xor3A_109, %shift_right_logical3A_115 : vector<8x1024xi32>
      %or3A_117 = arith.ori %shift_left3A_113, %shift_right_logical3A_116 : vector<8x1024xi32>
      %xor3A_118 = arith.xori %add3A_110, %or3A_117 : vector<8x1024xi32>
      %add3A_119 = arith.addi %add3A_110, %xor3A_118 : vector<8x1024xi32>
      %shift_left3A_120 = arith.constant 24 : i32
      %shift_left3A_121 = vector.broadcast %shift_left3A_120 : i32 to vector<8x1024xi32>
      %shift_left3A_122 = arith.shli %xor3A_118, %shift_left3A_121 : vector<8x1024xi32>
      %shift_right_logical3A_123 = arith.constant 8 : i32
      %shift_right_logical3A_124 = vector.broadcast %shift_right_logical3A_123 : i32 to vector<8x1024xi32>
      %shift_right_logical3A_125 = arith.shrui %xor3A_118, %shift_right_logical3A_124 : vector<8x1024xi32>
      %or3A_126 = arith.ori %shift_left3A_122, %shift_right_logical3A_125 : vector<8x1024xi32>
      %xor3A_127 = arith.xori %add3A_119, %or3A_126 : vector<8x1024xi32>
      %add3A_128 = arith.constant 466689008 : i32
      %add3A_129 = vector.broadcast %add3A_128 : i32 to vector<8x1024xi32>
      %add3A_130 = arith.addi %add3A_119, %add3A_129 : vector<8x1024xi32>
      %add3A_131 = arith.constant 0 : i32
      %add3A_132 = vector.broadcast %add3A_131 : i32 to vector<8x1024xi32>
      %add3A_133 = arith.addi %xor3A_127, %add3A_132 : vector<8x1024xi32>
      %add3A_134 = arith.constant 2 : i32
      %add3A_135 = vector.broadcast %add3A_134 : i32 to vector<8x1024xi32>
      %add3A_136 = arith.addi %add3A_133, %add3A_135 : vector<8x1024xi32>
      %add3A_137 = arith.addi %add3A_130, %add3A_136 : vector<8x1024xi32>
      %shift_left3A_138 = arith.constant 13 : i32
      %shift_left3A_139 = vector.broadcast %shift_left3A_138 : i32 to vector<8x1024xi32>
      %shift_left3A_140 = arith.shli %add3A_136, %shift_left3A_139 : vector<8x1024xi32>
      %shift_right_logical3A_141 = arith.constant 19 : i32
      %shift_right_logical3A_142 = vector.broadcast %shift_right_logical3A_141 : i32 to vector<8x1024xi32>
      %shift_right_logical3A_143 = arith.shrui %add3A_136, %shift_right_logical3A_142 : vector<8x1024xi32>
      %or3A_144 = arith.ori %shift_left3A_140, %shift_right_logical3A_143 : vector<8x1024xi32>
      %xor3A_145 = arith.xori %add3A_137, %or3A_144 : vector<8x1024xi32>
      %add3A_146 = arith.addi %add3A_137, %xor3A_145 : vector<8x1024xi32>
      %shift_left3A_147 = arith.constant 15 : i32
      %shift_left3A_148 = vector.broadcast %shift_left3A_147 : i32 to vector<8x1024xi32>
      %shift_left3A_149 = arith.shli %xor3A_145, %shift_left3A_148 : vector<8x1024xi32>
      %shift_right_logical3A_150 = arith.constant 17 : i32
      %shift_right_logical3A_151 = vector.broadcast %shift_right_logical3A_150 : i32 to vector<8x1024xi32>
      %shift_right_logical3A_152 = arith.shrui %xor3A_145, %shift_right_logical3A_151 : vector<8x1024xi32>
      %or3A_153 = arith.ori %shift_left3A_149, %shift_right_logical3A_152 : vector<8x1024xi32>
      %xor3A_154 = arith.xori %add3A_146, %or3A_153 : vector<8x1024xi32>
      %add3A_155 = arith.addi %add3A_146, %xor3A_154 : vector<8x1024xi32>
      %shift_left3A_156 = arith.constant 26 : i32
      %shift_left3A_157 = vector.broadcast %shift_left3A_156 : i32 to vector<8x1024xi32>
      %shift_left3A_158 = arith.shli %xor3A_154, %shift_left3A_157 : vector<8x1024xi32>
      %shift_right_logical3A_159 = arith.constant 6 : i32
      %shift_right_logical3A_160 = vector.broadcast %shift_right_logical3A_159 : i32 to vector<8x1024xi32>
      %shift_right_logical3A_161 = arith.shrui %xor3A_154, %shift_right_logical3A_160 : vector<8x1024xi32>
      %or3A_162 = arith.ori %shift_left3A_158, %shift_right_logical3A_161 : vector<8x1024xi32>
      %xor3A_163 = arith.xori %add3A_155, %or3A_162 : vector<8x1024xi32>
      %add3A_164 = arith.addi %add3A_155, %xor3A_163 : vector<8x1024xi32>
      %shift_left3A_165 = arith.constant 6 : i32
      %shift_left3A_166 = vector.broadcast %shift_left3A_165 : i32 to vector<8x1024xi32>
      %shift_left3A_167 = arith.shli %xor3A_163, %shift_left3A_166 : vector<8x1024xi32>
      %shift_right_logical3A_168 = arith.constant 26 : i32
      %shift_right_logical3A_169 = vector.broadcast %shift_right_logical3A_168 : i32 to vector<8x1024xi32>
      %shift_right_logical3A_170 = arith.shrui %xor3A_163, %shift_right_logical3A_169 : vector<8x1024xi32>
      %or3A_171 = arith.ori %shift_left3A_167, %shift_right_logical3A_170 : vector<8x1024xi32>
      %xor3A_172 = arith.xori %add3A_164, %or3A_171 : vector<8x1024xi32>
      %add3A_173 = arith.constant 0 : i32
      %add3A_174 = vector.broadcast %add3A_173 : i32 to vector<8x1024xi32>
      %add3A_175 = arith.addi %add3A_164, %add3A_174 : vector<8x1024xi32>
      %add3A_176 = arith.constant 42 : i32
      %add3A_177 = vector.broadcast %add3A_176 : i32 to vector<8x1024xi32>
      %add3A_178 = arith.addi %xor3A_172, %add3A_177 : vector<8x1024xi32>
      %add3A_179 = arith.constant 3 : i32
      %add3A_180 = vector.broadcast %add3A_179 : i32 to vector<8x1024xi32>
      %add3A_181 = arith.addi %add3A_178, %add3A_180 : vector<8x1024xi32>
      %add3A_182 = arith.addi %add3A_175, %add3A_181 : vector<8x1024xi32>
      %shift_left3A_183 = arith.constant 17 : i32
      %shift_left3A_184 = vector.broadcast %shift_left3A_183 : i32 to vector<8x1024xi32>
      %shift_left3A_185 = arith.shli %add3A_181, %shift_left3A_184 : vector<8x1024xi32>
      %shift_right_logical3A_186 = arith.constant 15 : i32
      %shift_right_logical3A_187 = vector.broadcast %shift_right_logical3A_186 : i32 to vector<8x1024xi32>
      %shift_right_logical3A_188 = arith.shrui %add3A_181, %shift_right_logical3A_187 : vector<8x1024xi32>
      %or3A_189 = arith.ori %shift_left3A_185, %shift_right_logical3A_188 : vector<8x1024xi32>
      %xor3A_190 = arith.xori %add3A_182, %or3A_189 : vector<8x1024xi32>
      %add3A_191 = arith.addi %add3A_182, %xor3A_190 : vector<8x1024xi32>
      %shift_left3A_192 = arith.constant 29 : i32
      %shift_left3A_193 = vector.broadcast %shift_left3A_192 : i32 to vector<8x1024xi32>
      %shift_left3A_194 = arith.shli %xor3A_190, %shift_left3A_193 : vector<8x1024xi32>
      %shift_right_logical3A_195 = arith.constant 3 : i32
      %shift_right_logical3A_196 = vector.broadcast %shift_right_logical3A_195 : i32 to vector<8x1024xi32>
      %shift_right_logical3A_197 = arith.shrui %xor3A_190, %shift_right_logical3A_196 : vector<8x1024xi32>
      %or3A_198 = arith.ori %shift_left3A_194, %shift_right_logical3A_197 : vector<8x1024xi32>
      %xor3A_199 = arith.xori %add3A_191, %or3A_198 : vector<8x1024xi32>
      %add3A_200 = arith.addi %add3A_191, %xor3A_199 : vector<8x1024xi32>
      %shift_left3A_201 = arith.constant 16 : i32
      %shift_left3A_202 = vector.broadcast %shift_left3A_201 : i32 to vector<8x1024xi32>
      %shift_left3A_203 = arith.shli %xor3A_199, %shift_left3A_202 : vector<8x1024xi32>
      %shift_right_logical3A_204 = arith.constant 16 : i32
      %shift_right_logical3A_205 = vector.broadcast %shift_right_logical3A_204 : i32 to vector<8x1024xi32>
      %shift_right_logical3A_206 = arith.shrui %xor3A_199, %shift_right_logical3A_205 : vector<8x1024xi32>
      %or3A_207 = arith.ori %shift_left3A_203, %shift_right_logical3A_206 : vector<8x1024xi32>
      %xor3A_208 = arith.xori %add3A_200, %or3A_207 : vector<8x1024xi32>
      %add3A_209 = arith.addi %add3A_200, %xor3A_208 : vector<8x1024xi32>
      %shift_left3A_210 = arith.constant 24 : i32
      %shift_left3A_211 = vector.broadcast %shift_left3A_210 : i32 to vector<8x1024xi32>
      %shift_left3A_212 = arith.shli %xor3A_208, %shift_left3A_211 : vector<8x1024xi32>
      %shift_right_logical3A_213 = arith.constant 8 : i32
      %shift_right_logical3A_214 = vector.broadcast %shift_right_logical3A_213 : i32 to vector<8x1024xi32>
      %shift_right_logical3A_215 = arith.shrui %xor3A_208, %shift_right_logical3A_214 : vector<8x1024xi32>
      %or3A_216 = arith.ori %shift_left3A_212, %shift_right_logical3A_215 : vector<8x1024xi32>
      %xor3A_217 = arith.xori %add3A_209, %or3A_216 : vector<8x1024xi32>
      %add3A_218 = arith.constant 42 : i32
      %add3A_219 = vector.broadcast %add3A_218 : i32 to vector<8x1024xi32>
      %add3A_220 = arith.addi %add3A_209, %add3A_219 : vector<8x1024xi32>
      %add3A_221 = arith.constant 466689008 : i32
      %add3A_222 = vector.broadcast %add3A_221 : i32 to vector<8x1024xi32>
      %add3A_223 = arith.addi %xor3A_217, %add3A_222 : vector<8x1024xi32>
      %add3A_224 = arith.constant 4 : i32
      %add3A_225 = vector.broadcast %add3A_224 : i32 to vector<8x1024xi32>
      %add3A_226 = arith.addi %add3A_223, %add3A_225 : vector<8x1024xi32>
      %add3A_227 = arith.addi %add3A_220, %add3A_226 : vector<8x1024xi32>
      %shift_left3A_228 = arith.constant 13 : i32
      %shift_left3A_229 = vector.broadcast %shift_left3A_228 : i32 to vector<8x1024xi32>
      %shift_left3A_230 = arith.shli %add3A_226, %shift_left3A_229 : vector<8x1024xi32>
      %shift_right_logical3A_231 = arith.constant 19 : i32
      %shift_right_logical3A_232 = vector.broadcast %shift_right_logical3A_231 : i32 to vector<8x1024xi32>
      %shift_right_logical3A_233 = arith.shrui %add3A_226, %shift_right_logical3A_232 : vector<8x1024xi32>
      %or3A_234 = arith.ori %shift_left3A_230, %shift_right_logical3A_233 : vector<8x1024xi32>
      %xor3A_235 = arith.xori %add3A_227, %or3A_234 : vector<8x1024xi32>
      %add3A_236 = arith.addi %add3A_227, %xor3A_235 : vector<8x1024xi32>
      %shift_left3A_237 = arith.constant 15 : i32
      %shift_left3A_238 = vector.broadcast %shift_left3A_237 : i32 to vector<8x1024xi32>
      %shift_left3A_239 = arith.shli %xor3A_235, %shift_left3A_238 : vector<8x1024xi32>
      %shift_right_logical3A_240 = arith.constant 17 : i32
      %shift_right_logical3A_241 = vector.broadcast %shift_right_logical3A_240 : i32 to vector<8x1024xi32>
      %shift_right_logical3A_242 = arith.shrui %xor3A_235, %shift_right_logical3A_241 : vector<8x1024xi32>
      %or3A_243 = arith.ori %shift_left3A_239, %shift_right_logical3A_242 : vector<8x1024xi32>
      %xor3A_244 = arith.xori %add3A_236, %or3A_243 : vector<8x1024xi32>
      %add3A_245 = arith.addi %add3A_236, %xor3A_244 : vector<8x1024xi32>
      %shift_left3A_246 = arith.constant 26 : i32
      %shift_left3A_247 = vector.broadcast %shift_left3A_246 : i32 to vector<8x1024xi32>
      %shift_left3A_248 = arith.shli %xor3A_244, %shift_left3A_247 : vector<8x1024xi32>
      %shift_right_logical3A_249 = arith.constant 6 : i32
      %shift_right_logical3A_250 = vector.broadcast %shift_right_logical3A_249 : i32 to vector<8x1024xi32>
      %shift_right_logical3A_251 = arith.shrui %xor3A_244, %shift_right_logical3A_250 : vector<8x1024xi32>
      %or3A_252 = arith.ori %shift_left3A_248, %shift_right_logical3A_251 : vector<8x1024xi32>
      %xor3A_253 = arith.xori %add3A_245, %or3A_252 : vector<8x1024xi32>
      %add3A_254 = arith.addi %add3A_245, %xor3A_253 : vector<8x1024xi32>
      %shift_left3A_255 = arith.constant 6 : i32
      %shift_left3A_256 = vector.broadcast %shift_left3A_255 : i32 to vector<8x1024xi32>
      %shift_left3A_257 = arith.shli %xor3A_253, %shift_left3A_256 : vector<8x1024xi32>
      %shift_right_logical3A_258 = arith.constant 26 : i32
      %shift_right_logical3A_259 = vector.broadcast %shift_right_logical3A_258 : i32 to vector<8x1024xi32>
      %shift_right_logical3A_260 = arith.shrui %xor3A_253, %shift_right_logical3A_259 : vector<8x1024xi32>
      %or3A_261 = arith.ori %shift_left3A_257, %shift_right_logical3A_260 : vector<8x1024xi32>
      %xor3A_262 = arith.xori %add3A_254, %or3A_261 : vector<8x1024xi32>
      %add3A_263 = arith.constant 466689008 : i32
      %add3A_264 = vector.broadcast %add3A_263 : i32 to vector<8x1024xi32>
      %add3A_265 = arith.addi %add3A_254, %add3A_264 : vector<8x1024xi32>
      %add3A_266 = arith.constant 0 : i32
      %add3A_267 = vector.broadcast %add3A_266 : i32 to vector<8x1024xi32>
      %add3A_268 = arith.addi %xor3A_262, %add3A_267 : vector<8x1024xi32>
      %add3A_269 = arith.constant 5 : i32
      %add3A_270 = vector.broadcast %add3A_269 : i32 to vector<8x1024xi32>
      %add3A_271 = arith.addi %add3A_268, %add3A_270 : vector<8x1024xi32>
      %xor3A_272 = arith.xori %add3A_265, %add3A_271 : vector<8x1024xi32>
      %shift_right_logical3A_273 = arith.constant 9 : i32
      %shift_right_logical3A_274 = vector.broadcast %shift_right_logical3A_273 : i32 to vector<8x1024xi32>
      %shift_right_logical3A_275 = arith.shrui %xor3A_272, %shift_right_logical3A_274 : vector<8x1024xi32>
      %or3A_276 = arith.constant 1065353216 : i32
      %or3A_277 = vector.broadcast %or3A_276 : i32 to vector<8x1024xi32>
      %or3A_278 = arith.ori %shift_right_logical3A_275, %or3A_277 : vector<8x1024xi32>
      %bitcast_convert_type3A = tpu.bitcast %or3A_278 : vector<8x1024xi32> -> vector<8x1024xf32>
      %sub3A = arith.constant 1.000000e+00 : f32
      %sub3A_279 = vector.broadcast %sub3A : f32 to vector<8x1024xf32>
      %sub3A_280 = arith.subf %bitcast_convert_type3A, %sub3A_279 : vector<8x1024xf32>
      %max3A = arith.constant 1.17549435E-38 : f32
      %max3A_281 = vector.broadcast %max3A : f32 to vector<8x1024xf32>
      %max3A_282 = arith.maximumf %sub3A_280, %max3A_281 : vector<8x1024xf32>
      %log3A = math.log %max3A_282 : vector<8x1024xf32>
      %neg3A = arith.constant 0.000000e+00 : f32
      %neg3A_283 = vector.broadcast %neg3A : f32 to vector<8x1024xf32>
      %neg3A_284 = arith.subf %neg3A_283, %log3A : vector<8x1024xf32>
      %log3A_285 = math.log %neg3A_284 : vector<8x1024xf32>
      %neg3A_286 = arith.constant 0.000000e+00 : f32
      %neg3A_287 = vector.broadcast %neg3A_286 : f32 to vector<8x1024xf32>
      %neg3A_288 = arith.subf %neg3A_287, %log3A_285 : vector<8x1024xf32>
      %log3A_289 = math.log %get3A_45 : vector<8x1024xf32>
      %add3A_290 = arith.addf %neg3A_288, %log3A_289 : vector<8x1024xf32>
      %gt3A = arith.cmpf ogt, %add3A_290, %scan3A_35 : vector<8x1024xf32>
      %select_n3A_291 = arith.select %gt3A, %add3A_290, %scan3A_35 : vector<8x1024xi1>, vector<8x1024xf32>
      %select_n3A_292 = arith.select %gt3A, %add3A_40, %scan3A_36 : vector<8x1024xi1>, vector<8x1024xi32>
      %scan3A_293 = arith.constant 1 : i32
      %scan3A_294 = arith.addi %scan3A_34, %scan3A_293 : i32
      %mul3A_295 = arith.constant 8192 : i32
      %mul3A_296 = arith.muli %scan3A_294, %mul3A_295 : i32
      %add3A_297 = vector.broadcast %mul3A_296 : i32 to vector<8x1024xi32>
      %add3A_298 = arith.addi %add3A_8, %add3A_297 : vector<8x1024xi32>
      %mul3A_299 = arith.constant 8 : i32
      %mul3A_300 = arith.muli %scan3A_294, %mul3A_299 : i32
      %get3A_301 = arith.index_cast %mul3A_300 : i32 to index
      %get3A_302 = arith.constant 0 : index
      %get3A_303 = vector.load %arg1[%get3A_301, %get3A_302] : memref<256x1024xf32, #tpu.memory_space<vmem>>, vector<8x1024xf32>
      %broadcast_in_dim3A_304 = arith.constant 0 : i32
      %broadcast_in_dim3A_305 = vector.broadcast %broadcast_in_dim3A_304 : i32 to vector<8x1024xi32>
      %add3A_306 = arith.constant 42 : i32
      %add3A_307 = vector.broadcast %add3A_306 : i32 to vector<8x1024xi32>
      %add3A_308 = arith.addi %add3A_298, %add3A_307 : vector<8x1024xi32>
      %add3A_309 = arith.addi %broadcast_in_dim3A_305, %add3A_308 : vector<8x1024xi32>
      %shift_left3A_310 = arith.constant 13 : i32
      %shift_left3A_311 = vector.broadcast %shift_left3A_310 : i32 to vector<8x1024xi32>
      %shift_left3A_312 = arith.shli %add3A_308, %shift_left3A_311 : vector<8x1024xi32>
      %shift_right_logical3A_313 = arith.constant 19 : i32
      %shift_right_logical3A_314 = vector.broadcast %shift_right_logical3A_313 : i32 to vector<8x1024xi32>
      %shift_right_logical3A_315 = arith.shrui %add3A_308, %shift_right_logical3A_314 : vector<8x1024xi32>
      %or3A_316 = arith.ori %shift_left3A_312, %shift_right_logical3A_315 : vector<8x1024xi32>
      %xor3A_317 = arith.xori %add3A_309, %or3A_316 : vector<8x1024xi32>
      %add3A_318 = arith.addi %add3A_309, %xor3A_317 : vector<8x1024xi32>
      %shift_left3A_319 = arith.constant 15 : i32
      %shift_left3A_320 = vector.broadcast %shift_left3A_319 : i32 to vector<8x1024xi32>
      %shift_left3A_321 = arith.shli %xor3A_317, %shift_left3A_320 : vector<8x1024xi32>
      %shift_right_logical3A_322 = arith.constant 17 : i32
      %shift_right_logical3A_323 = vector.broadcast %shift_right_logical3A_322 : i32 to vector<8x1024xi32>
      %shift_right_logical3A_324 = arith.shrui %xor3A_317, %shift_right_logical3A_323 : vector<8x1024xi32>
      %or3A_325 = arith.ori %shift_left3A_321, %shift_right_logical3A_324 : vector<8x1024xi32>
      %xor3A_326 = arith.xori %add3A_318, %or3A_325 : vector<8x1024xi32>
      %add3A_327 = arith.addi %add3A_318, %xor3A_326 : vector<8x1024xi32>
      %shift_left3A_328 = arith.constant 26 : i32
      %shift_left3A_329 = vector.broadcast %shift_left3A_328 : i32 to vector<8x1024xi32>
      %shift_left3A_330 = arith.shli %xor3A_326, %shift_left3A_329 : vector<8x1024xi32>
      %shift_right_logical3A_331 = arith.constant 6 : i32
      %shift_right_logical3A_332 = vector.broadcast %shift_right_logical3A_331 : i32 to vector<8x1024xi32>
      %shift_right_logical3A_333 = arith.shrui %xor3A_326, %shift_right_logical3A_332 : vector<8x1024xi32>
      %or3A_334 = arith.ori %shift_left3A_330, %shift_right_logical3A_333 : vector<8x1024xi32>
      %xor3A_335 = arith.xori %add3A_327, %or3A_334 : vector<8x1024xi32>
      %add3A_336 = arith.addi %add3A_327, %xor3A_335 : vector<8x1024xi32>
      %shift_left3A_337 = arith.constant 6 : i32
      %shift_left3A_338 = vector.broadcast %shift_left3A_337 : i32 to vector<8x1024xi32>
      %shift_left3A_339 = arith.shli %xor3A_335, %shift_left3A_338 : vector<8x1024xi32>
      %shift_right_logical3A_340 = arith.constant 26 : i32
      %shift_right_logical3A_341 = vector.broadcast %shift_right_logical3A_340 : i32 to vector<8x1024xi32>
      %shift_right_logical3A_342 = arith.shrui %xor3A_335, %shift_right_logical3A_341 : vector<8x1024xi32>
      %or3A_343 = arith.ori %shift_left3A_339, %shift_right_logical3A_342 : vector<8x1024xi32>
      %xor3A_344 = arith.xori %add3A_336, %or3A_343 : vector<8x1024xi32>
      %add3A_345 = arith.constant 42 : i32
      %add3A_346 = vector.broadcast %add3A_345 : i32 to vector<8x1024xi32>
      %add3A_347 = arith.addi %add3A_336, %add3A_346 : vector<8x1024xi32>
      %add3A_348 = arith.constant 466689008 : i32
      %add3A_349 = vector.broadcast %add3A_348 : i32 to vector<8x1024xi32>
      %add3A_350 = arith.addi %xor3A_344, %add3A_349 : vector<8x1024xi32>
      %add3A_351 = arith.constant 1 : i32
      %add3A_352 = vector.broadcast %add3A_351 : i32 to vector<8x1024xi32>
      %add3A_353 = arith.addi %add3A_350, %add3A_352 : vector<8x1024xi32>
      %add3A_354 = arith.addi %add3A_347, %add3A_353 : vector<8x1024xi32>
      %shift_left3A_355 = arith.constant 17 : i32
      %shift_left3A_356 = vector.broadcast %shift_left3A_355 : i32 to vector<8x1024xi32>
      %shift_left3A_357 = arith.shli %add3A_353, %shift_left3A_356 : vector<8x1024xi32>
      %shift_right_logical3A_358 = arith.constant 15 : i32
      %shift_right_logical3A_359 = vector.broadcast %shift_right_logical3A_358 : i32 to vector<8x1024xi32>
      %shift_right_logical3A_360 = arith.shrui %add3A_353, %shift_right_logical3A_359 : vector<8x1024xi32>
      %or3A_361 = arith.ori %shift_left3A_357, %shift_right_logical3A_360 : vector<8x1024xi32>
      %xor3A_362 = arith.xori %add3A_354, %or3A_361 : vector<8x1024xi32>
      %add3A_363 = arith.addi %add3A_354, %xor3A_362 : vector<8x1024xi32>
      %shift_left3A_364 = arith.constant 29 : i32
      %shift_left3A_365 = vector.broadcast %shift_left3A_364 : i32 to vector<8x1024xi32>
      %shift_left3A_366 = arith.shli %xor3A_362, %shift_left3A_365 : vector<8x1024xi32>
      %shift_right_logical3A_367 = arith.constant 3 : i32
      %shift_right_logical3A_368 = vector.broadcast %shift_right_logical3A_367 : i32 to vector<8x1024xi32>
      %shift_right_logical3A_369 = arith.shrui %xor3A_362, %shift_right_logical3A_368 : vector<8x1024xi32>
      %or3A_370 = arith.ori %shift_left3A_366, %shift_right_logical3A_369 : vector<8x1024xi32>
      %xor3A_371 = arith.xori %add3A_363, %or3A_370 : vector<8x1024xi32>
      %add3A_372 = arith.addi %add3A_363, %xor3A_371 : vector<8x1024xi32>
      %shift_left3A_373 = arith.constant 16 : i32
      %shift_left3A_374 = vector.broadcast %shift_left3A_373 : i32 to vector<8x1024xi32>
      %shift_left3A_375 = arith.shli %xor3A_371, %shift_left3A_374 : vector<8x1024xi32>
      %shift_right_logical3A_376 = arith.constant 16 : i32
      %shift_right_logical3A_377 = vector.broadcast %shift_right_logical3A_376 : i32 to vector<8x1024xi32>
      %shift_right_logical3A_378 = arith.shrui %xor3A_371, %shift_right_logical3A_377 : vector<8x1024xi32>
      %or3A_379 = arith.ori %shift_left3A_375, %shift_right_logical3A_378 : vector<8x1024xi32>
      %xor3A_380 = arith.xori %add3A_372, %or3A_379 : vector<8x1024xi32>
      %add3A_381 = arith.addi %add3A_372, %xor3A_380 : vector<8x1024xi32>
      %shift_left3A_382 = arith.constant 24 : i32
      %shift_left3A_383 = vector.broadcast %shift_left3A_382 : i32 to vector<8x1024xi32>
      %shift_left3A_384 = arith.shli %xor3A_380, %shift_left3A_383 : vector<8x1024xi32>
      %shift_right_logical3A_385 = arith.constant 8 : i32
      %shift_right_logical3A_386 = vector.broadcast %shift_right_logical3A_385 : i32 to vector<8x1024xi32>
      %shift_right_logical3A_387 = arith.shrui %xor3A_380, %shift_right_logical3A_386 : vector<8x1024xi32>
      %or3A_388 = arith.ori %shift_left3A_384, %shift_right_logical3A_387 : vector<8x1024xi32>
      %xor3A_389 = arith.xori %add3A_381, %or3A_388 : vector<8x1024xi32>
      %add3A_390 = arith.constant 466689008 : i32
      %add3A_391 = vector.broadcast %add3A_390 : i32 to vector<8x1024xi32>
      %add3A_392 = arith.addi %add3A_381, %add3A_391 : vector<8x1024xi32>
      %add3A_393 = arith.constant 0 : i32
      %add3A_394 = vector.broadcast %add3A_393 : i32 to vector<8x1024xi32>
      %add3A_395 = arith.addi %xor3A_389, %add3A_394 : vector<8x1024xi32>
      %add3A_396 = arith.constant 2 : i32
      %add3A_397 = vector.broadcast %add3A_396 : i32 to vector<8x1024xi32>
      %add3A_398 = arith.addi %add3A_395, %add3A_397 : vector<8x1024xi32>
      %add3A_399 = arith.addi %add3A_392, %add3A_398 : vector<8x1024xi32>
      %shift_left3A_400 = arith.constant 13 : i32
      %shift_left3A_401 = vector.broadcast %shift_left3A_400 : i32 to vector<8x1024xi32>
      %shift_left3A_402 = arith.shli %add3A_398, %shift_left3A_401 : vector<8x1024xi32>
      %shift_right_logical3A_403 = arith.constant 19 : i32
      %shift_right_logical3A_404 = vector.broadcast %shift_right_logical3A_403 : i32 to vector<8x1024xi32>
      %shift_right_logical3A_405 = arith.shrui %add3A_398, %shift_right_logical3A_404 : vector<8x1024xi32>
      %or3A_406 = arith.ori %shift_left3A_402, %shift_right_logical3A_405 : vector<8x1024xi32>
      %xor3A_407 = arith.xori %add3A_399, %or3A_406 : vector<8x1024xi32>
      %add3A_408 = arith.addi %add3A_399, %xor3A_407 : vector<8x1024xi32>
      %shift_left3A_409 = arith.constant 15 : i32
      %shift_left3A_410 = vector.broadcast %shift_left3A_409 : i32 to vector<8x1024xi32>
      %shift_left3A_411 = arith.shli %xor3A_407, %shift_left3A_410 : vector<8x1024xi32>
      %shift_right_logical3A_412 = arith.constant 17 : i32
      %shift_right_logical3A_413 = vector.broadcast %shift_right_logical3A_412 : i32 to vector<8x1024xi32>
      %shift_right_logical3A_414 = arith.shrui %xor3A_407, %shift_right_logical3A_413 : vector<8x1024xi32>
      %or3A_415 = arith.ori %shift_left3A_411, %shift_right_logical3A_414 : vector<8x1024xi32>
      %xor3A_416 = arith.xori %add3A_408, %or3A_415 : vector<8x1024xi32>
      %add3A_417 = arith.addi %add3A_408, %xor3A_416 : vector<8x1024xi32>
      %shift_left3A_418 = arith.constant 26 : i32
      %shift_left3A_419 = vector.broadcast %shift_left3A_418 : i32 to vector<8x1024xi32>
      %shift_left3A_420 = arith.shli %xor3A_416, %shift_left3A_419 : vector<8x1024xi32>
      %shift_right_logical3A_421 = arith.constant 6 : i32
      %shift_right_logical3A_422 = vector.broadcast %shift_right_logical3A_421 : i32 to vector<8x1024xi32>
      %shift_right_logical3A_423 = arith.shrui %xor3A_416, %shift_right_logical3A_422 : vector<8x1024xi32>
      %or3A_424 = arith.ori %shift_left3A_420, %shift_right_logical3A_423 : vector<8x1024xi32>
      %xor3A_425 = arith.xori %add3A_417, %or3A_424 : vector<8x1024xi32>
      %add3A_426 = arith.addi %add3A_417, %xor3A_425 : vector<8x1024xi32>
      %shift_left3A_427 = arith.constant 6 : i32
      %shift_left3A_428 = vector.broadcast %shift_left3A_427 : i32 to vector<8x1024xi32>
      %shift_left3A_429 = arith.shli %xor3A_425, %shift_left3A_428 : vector<8x1024xi32>
      %shift_right_logical3A_430 = arith.constant 26 : i32
      %shift_right_logical3A_431 = vector.broadcast %shift_right_logical3A_430 : i32 to vector<8x1024xi32>
      %shift_right_logical3A_432 = arith.shrui %xor3A_425, %shift_right_logical3A_431 : vector<8x1024xi32>
      %or3A_433 = arith.ori %shift_left3A_429, %shift_right_logical3A_432 : vector<8x1024xi32>
      %xor3A_434 = arith.xori %add3A_426, %or3A_433 : vector<8x1024xi32>
      %add3A_435 = arith.constant 0 : i32
      %add3A_436 = vector.broadcast %add3A_435 : i32 to vector<8x1024xi32>
      %add3A_437 = arith.addi %add3A_426, %add3A_436 : vector<8x1024xi32>
      %add3A_438 = arith.constant 42 : i32
      %add3A_439 = vector.broadcast %add3A_438 : i32 to vector<8x1024xi32>
      %add3A_440 = arith.addi %xor3A_434, %add3A_439 : vector<8x1024xi32>
      %add3A_441 = arith.constant 3 : i32
      %add3A_442 = vector.broadcast %add3A_441 : i32 to vector<8x1024xi32>
      %add3A_443 = arith.addi %add3A_440, %add3A_442 : vector<8x1024xi32>
      %add3A_444 = arith.addi %add3A_437, %add3A_443 : vector<8x1024xi32>
      %shift_left3A_445 = arith.constant 17 : i32
      %shift_left3A_446 = vector.broadcast %shift_left3A_445 : i32 to vector<8x1024xi32>
      %shift_left3A_447 = arith.shli %add3A_443, %shift_left3A_446 : vector<8x1024xi32>
      %shift_right_logical3A_448 = arith.constant 15 : i32
      %shift_right_logical3A_449 = vector.broadcast %shift_right_logical3A_448 : i32 to vector<8x1024xi32>
      %shift_right_logical3A_450 = arith.shrui %add3A_443, %shift_right_logical3A_449 : vector<8x1024xi32>
      %or3A_451 = arith.ori %shift_left3A_447, %shift_right_logical3A_450 : vector<8x1024xi32>
      %xor3A_452 = arith.xori %add3A_444, %or3A_451 : vector<8x1024xi32>
      %add3A_453 = arith.addi %add3A_444, %xor3A_452 : vector<8x1024xi32>
      %shift_left3A_454 = arith.constant 29 : i32
      %shift_left3A_455 = vector.broadcast %shift_left3A_454 : i32 to vector<8x1024xi32>
      %shift_left3A_456 = arith.shli %xor3A_452, %shift_left3A_455 : vector<8x1024xi32>
      %shift_right_logical3A_457 = arith.constant 3 : i32
      %shift_right_logical3A_458 = vector.broadcast %shift_right_logical3A_457 : i32 to vector<8x1024xi32>
      %shift_right_logical3A_459 = arith.shrui %xor3A_452, %shift_right_logical3A_458 : vector<8x1024xi32>
      %or3A_460 = arith.ori %shift_left3A_456, %shift_right_logical3A_459 : vector<8x1024xi32>
      %xor3A_461 = arith.xori %add3A_453, %or3A_460 : vector<8x1024xi32>
      %add3A_462 = arith.addi %add3A_453, %xor3A_461 : vector<8x1024xi32>
      %shift_left3A_463 = arith.constant 16 : i32
      %shift_left3A_464 = vector.broadcast %shift_left3A_463 : i32 to vector<8x1024xi32>
      %shift_left3A_465 = arith.shli %xor3A_461, %shift_left3A_464 : vector<8x1024xi32>
      %shift_right_logical3A_466 = arith.constant 16 : i32
      %shift_right_logical3A_467 = vector.broadcast %shift_right_logical3A_466 : i32 to vector<8x1024xi32>
      %shift_right_logical3A_468 = arith.shrui %xor3A_461, %shift_right_logical3A_467 : vector<8x1024xi32>
      %or3A_469 = arith.ori %shift_left3A_465, %shift_right_logical3A_468 : vector<8x1024xi32>
      %xor3A_470 = arith.xori %add3A_462, %or3A_469 : vector<8x1024xi32>
      %add3A_471 = arith.addi %add3A_462, %xor3A_470 : vector<8x1024xi32>
      %shift_left3A_472 = arith.constant 24 : i32
      %shift_left3A_473 = vector.broadcast %shift_left3A_472 : i32 to vector<8x1024xi32>
      %shift_left3A_474 = arith.shli %xor3A_470, %shift_left3A_473 : vector<8x1024xi32>
      %shift_right_logical3A_475 = arith.constant 8 : i32
      %shift_right_logical3A_476 = vector.broadcast %shift_right_logical3A_475 : i32 to vector<8x1024xi32>
      %shift_right_logical3A_477 = arith.shrui %xor3A_470, %shift_right_logical3A_476 : vector<8x1024xi32>
      %or3A_478 = arith.ori %shift_left3A_474, %shift_right_logical3A_477 : vector<8x1024xi32>
      %xor3A_479 = arith.xori %add3A_471, %or3A_478 : vector<8x1024xi32>
      %add3A_480 = arith.constant 42 : i32
      %add3A_481 = vector.broadcast %add3A_480 : i32 to vector<8x1024xi32>
      %add3A_482 = arith.addi %add3A_471, %add3A_481 : vector<8x1024xi32>
      %add3A_483 = arith.constant 466689008 : i32
      %add3A_484 = vector.broadcast %add3A_483 : i32 to vector<8x1024xi32>
      %add3A_485 = arith.addi %xor3A_479, %add3A_484 : vector<8x1024xi32>
      %add3A_486 = arith.constant 4 : i32
      %add3A_487 = vector.broadcast %add3A_486 : i32 to vector<8x1024xi32>
      %add3A_488 = arith.addi %add3A_485, %add3A_487 : vector<8x1024xi32>
      %add3A_489 = arith.addi %add3A_482, %add3A_488 : vector<8x1024xi32>
      %shift_left3A_490 = arith.constant 13 : i32
      %shift_left3A_491 = vector.broadcast %shift_left3A_490 : i32 to vector<8x1024xi32>
      %shift_left3A_492 = arith.shli %add3A_488, %shift_left3A_491 : vector<8x1024xi32>
      %shift_right_logical3A_493 = arith.constant 19 : i32
      %shift_right_logical3A_494 = vector.broadcast %shift_right_logical3A_493 : i32 to vector<8x1024xi32>
      %shift_right_logical3A_495 = arith.shrui %add3A_488, %shift_right_logical3A_494 : vector<8x1024xi32>
      %or3A_496 = arith.ori %shift_left3A_492, %shift_right_logical3A_495 : vector<8x1024xi32>
      %xor3A_497 = arith.xori %add3A_489, %or3A_496 : vector<8x1024xi32>
      %add3A_498 = arith.addi %add3A_489, %xor3A_497 : vector<8x1024xi32>
      %shift_left3A_499 = arith.constant 15 : i32
      %shift_left3A_500 = vector.broadcast %shift_left3A_499 : i32 to vector<8x1024xi32>
      %shift_left3A_501 = arith.shli %xor3A_497, %shift_left3A_500 : vector<8x1024xi32>
      %shift_right_logical3A_502 = arith.constant 17 : i32
      %shift_right_logical3A_503 = vector.broadcast %shift_right_logical3A_502 : i32 to vector<8x1024xi32>
      %shift_right_logical3A_504 = arith.shrui %xor3A_497, %shift_right_logical3A_503 : vector<8x1024xi32>
      %or3A_505 = arith.ori %shift_left3A_501, %shift_right_logical3A_504 : vector<8x1024xi32>
      %xor3A_506 = arith.xori %add3A_498, %or3A_505 : vector<8x1024xi32>
      %add3A_507 = arith.addi %add3A_498, %xor3A_506 : vector<8x1024xi32>
      %shift_left3A_508 = arith.constant 26 : i32
      %shift_left3A_509 = vector.broadcast %shift_left3A_508 : i32 to vector<8x1024xi32>
      %shift_left3A_510 = arith.shli %xor3A_506, %shift_left3A_509 : vector<8x1024xi32>
      %shift_right_logical3A_511 = arith.constant 6 : i32
      %shift_right_logical3A_512 = vector.broadcast %shift_right_logical3A_511 : i32 to vector<8x1024xi32>
      %shift_right_logical3A_513 = arith.shrui %xor3A_506, %shift_right_logical3A_512 : vector<8x1024xi32>
      %or3A_514 = arith.ori %shift_left3A_510, %shift_right_logical3A_513 : vector<8x1024xi32>
      %xor3A_515 = arith.xori %add3A_507, %or3A_514 : vector<8x1024xi32>
      %add3A_516 = arith.addi %add3A_507, %xor3A_515 : vector<8x1024xi32>
      %shift_left3A_517 = arith.constant 6 : i32
      %shift_left3A_518 = vector.broadcast %shift_left3A_517 : i32 to vector<8x1024xi32>
      %shift_left3A_519 = arith.shli %xor3A_515, %shift_left3A_518 : vector<8x1024xi32>
      %shift_right_logical3A_520 = arith.constant 26 : i32
      %shift_right_logical3A_521 = vector.broadcast %shift_right_logical3A_520 : i32 to vector<8x1024xi32>
      %shift_right_logical3A_522 = arith.shrui %xor3A_515, %shift_right_logical3A_521 : vector<8x1024xi32>
      %or3A_523 = arith.ori %shift_left3A_519, %shift_right_logical3A_522 : vector<8x1024xi32>
      %xor3A_524 = arith.xori %add3A_516, %or3A_523 : vector<8x1024xi32>
      %add3A_525 = arith.constant 466689008 : i32
      %add3A_526 = vector.broadcast %add3A_525 : i32 to vector<8x1024xi32>
      %add3A_527 = arith.addi %add3A_516, %add3A_526 : vector<8x1024xi32>
      %add3A_528 = arith.constant 0 : i32
      %add3A_529 = vector.broadcast %add3A_528 : i32 to vector<8x1024xi32>
      %add3A_530 = arith.addi %xor3A_524, %add3A_529 : vector<8x1024xi32>
      %add3A_531 = arith.constant 5 : i32
      %add3A_532 = vector.broadcast %add3A_531 : i32 to vector<8x1024xi32>
      %add3A_533 = arith.addi %add3A_530, %add3A_532 : vector<8x1024xi32>
      %xor3A_534 = arith.xori %add3A_527, %add3A_533 : vector<8x1024xi32>
      %shift_right_logical3A_535 = arith.constant 9 : i32
      %shift_right_logical3A_536 = vector.broadcast %shift_right_logical3A_535 : i32 to vector<8x1024xi32>
      %shift_right_logical3A_537 = arith.shrui %xor3A_534, %shift_right_logical3A_536 : vector<8x1024xi32>
      %or3A_538 = arith.constant 1065353216 : i32
      %or3A_539 = vector.broadcast %or3A_538 : i32 to vector<8x1024xi32>
      %or3A_540 = arith.ori %shift_right_logical3A_537, %or3A_539 : vector<8x1024xi32>
      %bitcast_convert_type3A_541 = tpu.bitcast %or3A_540 : vector<8x1024xi32> -> vector<8x1024xf32>
      %sub3A_542 = arith.constant 1.000000e+00 : f32
      %sub3A_543 = vector.broadcast %sub3A_542 : f32 to vector<8x1024xf32>
      %sub3A_544 = arith.subf %bitcast_convert_type3A_541, %sub3A_543 : vector<8x1024xf32>
      %max3A_545 = arith.constant 1.17549435E-38 : f32
      %max3A_546 = vector.broadcast %max3A_545 : f32 to vector<8x1024xf32>
      %max3A_547 = arith.maximumf %sub3A_544, %max3A_546 : vector<8x1024xf32>
      %log3A_548 = math.log %max3A_547 : vector<8x1024xf32>
      %neg3A_549 = arith.constant 0.000000e+00 : f32
      %neg3A_550 = vector.broadcast %neg3A_549 : f32 to vector<8x1024xf32>
      %neg3A_551 = arith.subf %neg3A_550, %log3A_548 : vector<8x1024xf32>
      %log3A_552 = math.log %neg3A_551 : vector<8x1024xf32>
      %neg3A_553 = arith.constant 0.000000e+00 : f32
      %neg3A_554 = vector.broadcast %neg3A_553 : f32 to vector<8x1024xf32>
      %neg3A_555 = arith.subf %neg3A_554, %log3A_552 : vector<8x1024xf32>
      %log3A_556 = math.log %get3A_303 : vector<8x1024xf32>
      %add3A_557 = arith.addf %neg3A_555, %log3A_556 : vector<8x1024xf32>
      %gt3A_558 = arith.cmpf ogt, %add3A_557, %select_n3A_291 : vector<8x1024xf32>
      %select_n3A_559 = arith.select %gt3A_558, %add3A_557, %select_n3A_291 : vector<8x1024xi1>, vector<8x1024xf32>
      %select_n3A_560 = arith.select %gt3A_558, %add3A_298, %select_n3A_292 : vector<8x1024xi1>, vector<8x1024xi32>
      %scan3A_561 = arith.constant 2 : i32
      %scan3A_562 = arith.addi %scan3A_34, %scan3A_561 : i32
      %mul3A_563 = arith.constant 8192 : i32
      %mul3A_564 = arith.muli %scan3A_562, %mul3A_563 : i32
      %add3A_565 = vector.broadcast %mul3A_564 : i32 to vector<8x1024xi32>
      %add3A_566 = arith.addi %add3A_8, %add3A_565 : vector<8x1024xi32>
      %mul3A_567 = arith.constant 8 : i32
      %mul3A_568 = arith.muli %scan3A_562, %mul3A_567 : i32
      %get3A_569 = arith.index_cast %mul3A_568 : i32 to index
      %get3A_570 = arith.constant 0 : index
      %get3A_571 = vector.load %arg1[%get3A_569, %get3A_570] : memref<256x1024xf32, #tpu.memory_space<vmem>>, vector<8x1024xf32>
      %broadcast_in_dim3A_572 = arith.constant 0 : i32
      %broadcast_in_dim3A_573 = vector.broadcast %broadcast_in_dim3A_572 : i32 to vector<8x1024xi32>
      %add3A_574 = arith.constant 42 : i32
      %add3A_575 = vector.broadcast %add3A_574 : i32 to vector<8x1024xi32>
      %add3A_576 = arith.addi %add3A_566, %add3A_575 : vector<8x1024xi32>
      %add3A_577 = arith.addi %broadcast_in_dim3A_573, %add3A_576 : vector<8x1024xi32>
      %shift_left3A_578 = arith.constant 13 : i32
      %shift_left3A_579 = vector.broadcast %shift_left3A_578 : i32 to vector<8x1024xi32>
      %shift_left3A_580 = arith.shli %add3A_576, %shift_left3A_579 : vector<8x1024xi32>
      %shift_right_logical3A_581 = arith.constant 19 : i32
      %shift_right_logical3A_582 = vector.broadcast %shift_right_logical3A_581 : i32 to vector<8x1024xi32>
      %shift_right_logical3A_583 = arith.shrui %add3A_576, %shift_right_logical3A_582 : vector<8x1024xi32>
      %or3A_584 = arith.ori %shift_left3A_580, %shift_right_logical3A_583 : vector<8x1024xi32>
      %xor3A_585 = arith.xori %add3A_577, %or3A_584 : vector<8x1024xi32>
      %add3A_586 = arith.addi %add3A_577, %xor3A_585 : vector<8x1024xi32>
      %shift_left3A_587 = arith.constant 15 : i32
      %shift_left3A_588 = vector.broadcast %shift_left3A_587 : i32 to vector<8x1024xi32>
      %shift_left3A_589 = arith.shli %xor3A_585, %shift_left3A_588 : vector<8x1024xi32>
      %shift_right_logical3A_590 = arith.constant 17 : i32
      %shift_right_logical3A_591 = vector.broadcast %shift_right_logical3A_590 : i32 to vector<8x1024xi32>
      %shift_right_logical3A_592 = arith.shrui %xor3A_585, %shift_right_logical3A_591 : vector<8x1024xi32>
      %or3A_593 = arith.ori %shift_left3A_589, %shift_right_logical3A_592 : vector<8x1024xi32>
      %xor3A_594 = arith.xori %add3A_586, %or3A_593 : vector<8x1024xi32>
      %add3A_595 = arith.addi %add3A_586, %xor3A_594 : vector<8x1024xi32>
      %shift_left3A_596 = arith.constant 26 : i32
      %shift_left3A_597 = vector.broadcast %shift_left3A_596 : i32 to vector<8x1024xi32>
      %shift_left3A_598 = arith.shli %xor3A_594, %shift_left3A_597 : vector<8x1024xi32>
      %shift_right_logical3A_599 = arith.constant 6 : i32
      %shift_right_logical3A_600 = vector.broadcast %shift_right_logical3A_599 : i32 to vector<8x1024xi32>
      %shift_right_logical3A_601 = arith.shrui %xor3A_594, %shift_right_logical3A_600 : vector<8x1024xi32>
      %or3A_602 = arith.ori %shift_left3A_598, %shift_right_logical3A_601 : vector<8x1024xi32>
      %xor3A_603 = arith.xori %add3A_595, %or3A_602 : vector<8x1024xi32>
      %add3A_604 = arith.addi %add3A_595, %xor3A_603 : vector<8x1024xi32>
      %shift_left3A_605 = arith.constant 6 : i32
      %shift_left3A_606 = vector.broadcast %shift_left3A_605 : i32 to vector<8x1024xi32>
      %shift_left3A_607 = arith.shli %xor3A_603, %shift_left3A_606 : vector<8x1024xi32>
      %shift_right_logical3A_608 = arith.constant 26 : i32
      %shift_right_logical3A_609 = vector.broadcast %shift_right_logical3A_608 : i32 to vector<8x1024xi32>
      %shift_right_logical3A_610 = arith.shrui %xor3A_603, %shift_right_logical3A_609 : vector<8x1024xi32>
      %or3A_611 = arith.ori %shift_left3A_607, %shift_right_logical3A_610 : vector<8x1024xi32>
      %xor3A_612 = arith.xori %add3A_604, %or3A_611 : vector<8x1024xi32>
      %add3A_613 = arith.constant 42 : i32
      %add3A_614 = vector.broadcast %add3A_613 : i32 to vector<8x1024xi32>
      %add3A_615 = arith.addi %add3A_604, %add3A_614 : vector<8x1024xi32>
      %add3A_616 = arith.constant 466689008 : i32
      %add3A_617 = vector.broadcast %add3A_616 : i32 to vector<8x1024xi32>
      %add3A_618 = arith.addi %xor3A_612, %add3A_617 : vector<8x1024xi32>
      %add3A_619 = arith.constant 1 : i32
      %add3A_620 = vector.broadcast %add3A_619 : i32 to vector<8x1024xi32>
      %add3A_621 = arith.addi %add3A_618, %add3A_620 : vector<8x1024xi32>
      %add3A_622 = arith.addi %add3A_615, %add3A_621 : vector<8x1024xi32>
      %shift_left3A_623 = arith.constant 17 : i32
      %shift_left3A_624 = vector.broadcast %shift_left3A_623 : i32 to vector<8x1024xi32>
      %shift_left3A_625 = arith.shli %add3A_621, %shift_left3A_624 : vector<8x1024xi32>
      %shift_right_logical3A_626 = arith.constant 15 : i32
      %shift_right_logical3A_627 = vector.broadcast %shift_right_logical3A_626 : i32 to vector<8x1024xi32>
      %shift_right_logical3A_628 = arith.shrui %add3A_621, %shift_right_logical3A_627 : vector<8x1024xi32>
      %or3A_629 = arith.ori %shift_left3A_625, %shift_right_logical3A_628 : vector<8x1024xi32>
      %xor3A_630 = arith.xori %add3A_622, %or3A_629 : vector<8x1024xi32>
      %add3A_631 = arith.addi %add3A_622, %xor3A_630 : vector<8x1024xi32>
      %shift_left3A_632 = arith.constant 29 : i32
      %shift_left3A_633 = vector.broadcast %shift_left3A_632 : i32 to vector<8x1024xi32>
      %shift_left3A_634 = arith.shli %xor3A_630, %shift_left3A_633 : vector<8x1024xi32>
      %shift_right_logical3A_635 = arith.constant 3 : i32
      %shift_right_logical3A_636 = vector.broadcast %shift_right_logical3A_635 : i32 to vector<8x1024xi32>
      %shift_right_logical3A_637 = arith.shrui %xor3A_630, %shift_right_logical3A_636 : vector<8x1024xi32>
      %or3A_638 = arith.ori %shift_left3A_634, %shift_right_logical3A_637 : vector<8x1024xi32>
      %xor3A_639 = arith.xori %add3A_631, %or3A_638 : vector<8x1024xi32>
      %add3A_640 = arith.addi %add3A_631, %xor3A_639 : vector<8x1024xi32>
      %shift_left3A_641 = arith.constant 16 : i32
      %shift_left3A_642 = vector.broadcast %shift_left3A_641 : i32 to vector<8x1024xi32>
      %shift_left3A_643 = arith.shli %xor3A_639, %shift_left3A_642 : vector<8x1024xi32>
      %shift_right_logical3A_644 = arith.constant 16 : i32
      %shift_right_logical3A_645 = vector.broadcast %shift_right_logical3A_644 : i32 to vector<8x1024xi32>
      %shift_right_logical3A_646 = arith.shrui %xor3A_639, %shift_right_logical3A_645 : vector<8x1024xi32>
      %or3A_647 = arith.ori %shift_left3A_643, %shift_right_logical3A_646 : vector<8x1024xi32>
      %xor3A_648 = arith.xori %add3A_640, %or3A_647 : vector<8x1024xi32>
      %add3A_649 = arith.addi %add3A_640, %xor3A_648 : vector<8x1024xi32>
      %shift_left3A_650 = arith.constant 24 : i32
      %shift_left3A_651 = vector.broadcast %shift_left3A_650 : i32 to vector<8x1024xi32>
      %shift_left3A_652 = arith.shli %xor3A_648, %shift_left3A_651 : vector<8x1024xi32>
      %shift_right_logical3A_653 = arith.constant 8 : i32
      %shift_right_logical3A_654 = vector.broadcast %shift_right_logical3A_653 : i32 to vector<8x1024xi32>
      %shift_right_logical3A_655 = arith.shrui %xor3A_648, %shift_right_logical3A_654 : vector<8x1024xi32>
      %or3A_656 = arith.ori %shift_left3A_652, %shift_right_logical3A_655 : vector<8x1024xi32>
      %xor3A_657 = arith.xori %add3A_649, %or3A_656 : vector<8x1024xi32>
      %add3A_658 = arith.constant 466689008 : i32
      %add3A_659 = vector.broadcast %add3A_658 : i32 to vector<8x1024xi32>
      %add3A_660 = arith.addi %add3A_649, %add3A_659 : vector<8x1024xi32>
      %add3A_661 = arith.constant 0 : i32
      %add3A_662 = vector.broadcast %add3A_661 : i32 to vector<8x1024xi32>
      %add3A_663 = arith.addi %xor3A_657, %add3A_662 : vector<8x1024xi32>
      %add3A_664 = arith.constant 2 : i32
      %add3A_665 = vector.broadcast %add3A_664 : i32 to vector<8x1024xi32>
      %add3A_666 = arith.addi %add3A_663, %add3A_665 : vector<8x1024xi32>
      %add3A_667 = arith.addi %add3A_660, %add3A_666 : vector<8x1024xi32>
      %shift_left3A_668 = arith.constant 13 : i32
      %shift_left3A_669 = vector.broadcast %shift_left3A_668 : i32 to vector<8x1024xi32>
      %shift_left3A_670 = arith.shli %add3A_666, %shift_left3A_669 : vector<8x1024xi32>
      %shift_right_logical3A_671 = arith.constant 19 : i32
      %shift_right_logical3A_672 = vector.broadcast %shift_right_logical3A_671 : i32 to vector<8x1024xi32>
      %shift_right_logical3A_673 = arith.shrui %add3A_666, %shift_right_logical3A_672 : vector<8x1024xi32>
      %or3A_674 = arith.ori %shift_left3A_670, %shift_right_logical3A_673 : vector<8x1024xi32>
      %xor3A_675 = arith.xori %add3A_667, %or3A_674 : vector<8x1024xi32>
      %add3A_676 = arith.addi %add3A_667, %xor3A_675 : vector<8x1024xi32>
      %shift_left3A_677 = arith.constant 15 : i32
      %shift_left3A_678 = vector.broadcast %shift_left3A_677 : i32 to vector<8x1024xi32>
      %shift_left3A_679 = arith.shli %xor3A_675, %shift_left3A_678 : vector<8x1024xi32>
      %shift_right_logical3A_680 = arith.constant 17 : i32
      %shift_right_logical3A_681 = vector.broadcast %shift_right_logical3A_680 : i32 to vector<8x1024xi32>
      %shift_right_logical3A_682 = arith.shrui %xor3A_675, %shift_right_logical3A_681 : vector<8x1024xi32>
      %or3A_683 = arith.ori %shift_left3A_679, %shift_right_logical3A_682 : vector<8x1024xi32>
      %xor3A_684 = arith.xori %add3A_676, %or3A_683 : vector<8x1024xi32>
      %add3A_685 = arith.addi %add3A_676, %xor3A_684 : vector<8x1024xi32>
      %shift_left3A_686 = arith.constant 26 : i32
      %shift_left3A_687 = vector.broadcast %shift_left3A_686 : i32 to vector<8x1024xi32>
      %shift_left3A_688 = arith.shli %xor3A_684, %shift_left3A_687 : vector<8x1024xi32>
      %shift_right_logical3A_689 = arith.constant 6 : i32
      %shift_right_logical3A_690 = vector.broadcast %shift_right_logical3A_689 : i32 to vector<8x1024xi32>
      %shift_right_logical3A_691 = arith.shrui %xor3A_684, %shift_right_logical3A_690 : vector<8x1024xi32>
      %or3A_692 = arith.ori %shift_left3A_688, %shift_right_logical3A_691 : vector<8x1024xi32>
      %xor3A_693 = arith.xori %add3A_685, %or3A_692 : vector<8x1024xi32>
      %add3A_694 = arith.addi %add3A_685, %xor3A_693 : vector<8x1024xi32>
      %shift_left3A_695 = arith.constant 6 : i32
      %shift_left3A_696 = vector.broadcast %shift_left3A_695 : i32 to vector<8x1024xi32>
      %shift_left3A_697 = arith.shli %xor3A_693, %shift_left3A_696 : vector<8x1024xi32>
      %shift_right_logical3A_698 = arith.constant 26 : i32
      %shift_right_logical3A_699 = vector.broadcast %shift_right_logical3A_698 : i32 to vector<8x1024xi32>
      %shift_right_logical3A_700 = arith.shrui %xor3A_693, %shift_right_logical3A_699 : vector<8x1024xi32>
      %or3A_701 = arith.ori %shift_left3A_697, %shift_right_logical3A_700 : vector<8x1024xi32>
      %xor3A_702 = arith.xori %add3A_694, %or3A_701 : vector<8x1024xi32>
      %add3A_703 = arith.constant 0 : i32
      %add3A_704 = vector.broadcast %add3A_703 : i32 to vector<8x1024xi32>
      %add3A_705 = arith.addi %add3A_694, %add3A_704 : vector<8x1024xi32>
      %add3A_706 = arith.constant 42 : i32
      %add3A_707 = vector.broadcast %add3A_706 : i32 to vector<8x1024xi32>
      %add3A_708 = arith.addi %xor3A_702, %add3A_707 : vector<8x1024xi32>
      %add3A_709 = arith.constant 3 : i32
      %add3A_710 = vector.broadcast %add3A_709 : i32 to vector<8x1024xi32>
      %add3A_711 = arith.addi %add3A_708, %add3A_710 : vector<8x1024xi32>
      %add3A_712 = arith.addi %add3A_705, %add3A_711 : vector<8x1024xi32>
      %shift_left3A_713 = arith.constant 17 : i32
      %shift_left3A_714 = vector.broadcast %shift_left3A_713 : i32 to vector<8x1024xi32>
      %shift_left3A_715 = arith.shli %add3A_711, %shift_left3A_714 : vector<8x1024xi32>
      %shift_right_logical3A_716 = arith.constant 15 : i32
      %shift_right_logical3A_717 = vector.broadcast %shift_right_logical3A_716 : i32 to vector<8x1024xi32>
      %shift_right_logical3A_718 = arith.shrui %add3A_711, %shift_right_logical3A_717 : vector<8x1024xi32>
      %or3A_719 = arith.ori %shift_left3A_715, %shift_right_logical3A_718 : vector<8x1024xi32>
      %xor3A_720 = arith.xori %add3A_712, %or3A_719 : vector<8x1024xi32>
      %add3A_721 = arith.addi %add3A_712, %xor3A_720 : vector<8x1024xi32>
      %shift_left3A_722 = arith.constant 29 : i32
      %shift_left3A_723 = vector.broadcast %shift_left3A_722 : i32 to vector<8x1024xi32>
      %shift_left3A_724 = arith.shli %xor3A_720, %shift_left3A_723 : vector<8x1024xi32>
      %shift_right_logical3A_725 = arith.constant 3 : i32
      %shift_right_logical3A_726 = vector.broadcast %shift_right_logical3A_725 : i32 to vector<8x1024xi32>
      %shift_right_logical3A_727 = arith.shrui %xor3A_720, %shift_right_logical3A_726 : vector<8x1024xi32>
      %or3A_728 = arith.ori %shift_left3A_724, %shift_right_logical3A_727 : vector<8x1024xi32>
      %xor3A_729 = arith.xori %add3A_721, %or3A_728 : vector<8x1024xi32>
      %add3A_730 = arith.addi %add3A_721, %xor3A_729 : vector<8x1024xi32>
      %shift_left3A_731 = arith.constant 16 : i32
      %shift_left3A_732 = vector.broadcast %shift_left3A_731 : i32 to vector<8x1024xi32>
      %shift_left3A_733 = arith.shli %xor3A_729, %shift_left3A_732 : vector<8x1024xi32>
      %shift_right_logical3A_734 = arith.constant 16 : i32
      %shift_right_logical3A_735 = vector.broadcast %shift_right_logical3A_734 : i32 to vector<8x1024xi32>
      %shift_right_logical3A_736 = arith.shrui %xor3A_729, %shift_right_logical3A_735 : vector<8x1024xi32>
      %or3A_737 = arith.ori %shift_left3A_733, %shift_right_logical3A_736 : vector<8x1024xi32>
      %xor3A_738 = arith.xori %add3A_730, %or3A_737 : vector<8x1024xi32>
      %add3A_739 = arith.addi %add3A_730, %xor3A_738 : vector<8x1024xi32>
      %shift_left3A_740 = arith.constant 24 : i32
      %shift_left3A_741 = vector.broadcast %shift_left3A_740 : i32 to vector<8x1024xi32>
      %shift_left3A_742 = arith.shli %xor3A_738, %shift_left3A_741 : vector<8x1024xi32>
      %shift_right_logical3A_743 = arith.constant 8 : i32
      %shift_right_logical3A_744 = vector.broadcast %shift_right_logical3A_743 : i32 to vector<8x1024xi32>
      %shift_right_logical3A_745 = arith.shrui %xor3A_738, %shift_right_logical3A_744 : vector<8x1024xi32>
      %or3A_746 = arith.ori %shift_left3A_742, %shift_right_logical3A_745 : vector<8x1024xi32>
      %xor3A_747 = arith.xori %add3A_739, %or3A_746 : vector<8x1024xi32>
      %add3A_748 = arith.constant 42 : i32
      %add3A_749 = vector.broadcast %add3A_748 : i32 to vector<8x1024xi32>
      %add3A_750 = arith.addi %add3A_739, %add3A_749 : vector<8x1024xi32>
      %add3A_751 = arith.constant 466689008 : i32
      %add3A_752 = vector.broadcast %add3A_751 : i32 to vector<8x1024xi32>
      %add3A_753 = arith.addi %xor3A_747, %add3A_752 : vector<8x1024xi32>
      %add3A_754 = arith.constant 4 : i32
      %add3A_755 = vector.broadcast %add3A_754 : i32 to vector<8x1024xi32>
      %add3A_756 = arith.addi %add3A_753, %add3A_755 : vector<8x1024xi32>
      %add3A_757 = arith.addi %add3A_750, %add3A_756 : vector<8x1024xi32>
      %shift_left3A_758 = arith.constant 13 : i32
      %shift_left3A_759 = vector.broadcast %shift_left3A_758 : i32 to vector<8x1024xi32>
      %shift_left3A_760 = arith.shli %add3A_756, %shift_left3A_759 : vector<8x1024xi32>
      %shift_right_logical3A_761 = arith.constant 19 : i32
      %shift_right_logical3A_762 = vector.broadcast %shift_right_logical3A_761 : i32 to vector<8x1024xi32>
      %shift_right_logical3A_763 = arith.shrui %add3A_756, %shift_right_logical3A_762 : vector<8x1024xi32>
      %or3A_764 = arith.ori %shift_left3A_760, %shift_right_logical3A_763 : vector<8x1024xi32>
      %xor3A_765 = arith.xori %add3A_757, %or3A_764 : vector<8x1024xi32>
      %add3A_766 = arith.addi %add3A_757, %xor3A_765 : vector<8x1024xi32>
      %shift_left3A_767 = arith.constant 15 : i32
      %shift_left3A_768 = vector.broadcast %shift_left3A_767 : i32 to vector<8x1024xi32>
      %shift_left3A_769 = arith.shli %xor3A_765, %shift_left3A_768 : vector<8x1024xi32>
      %shift_right_logical3A_770 = arith.constant 17 : i32
      %shift_right_logical3A_771 = vector.broadcast %shift_right_logical3A_770 : i32 to vector<8x1024xi32>
      %shift_right_logical3A_772 = arith.shrui %xor3A_765, %shift_right_logical3A_771 : vector<8x1024xi32>
      %or3A_773 = arith.ori %shift_left3A_769, %shift_right_logical3A_772 : vector<8x1024xi32>
      %xor3A_774 = arith.xori %add3A_766, %or3A_773 : vector<8x1024xi32>
      %add3A_775 = arith.addi %add3A_766, %xor3A_774 : vector<8x1024xi32>
      %shift_left3A_776 = arith.constant 26 : i32
      %shift_left3A_777 = vector.broadcast %shift_left3A_776 : i32 to vector<8x1024xi32>
      %shift_left3A_778 = arith.shli %xor3A_774, %shift_left3A_777 : vector<8x1024xi32>
      %shift_right_logical3A_779 = arith.constant 6 : i32
      %shift_right_logical3A_780 = vector.broadcast %shift_right_logical3A_779 : i32 to vector<8x1024xi32>
      %shift_right_logical3A_781 = arith.shrui %xor3A_774, %shift_right_logical3A_780 : vector<8x1024xi32>
      %or3A_782 = arith.ori %shift_left3A_778, %shift_right_logical3A_781 : vector<8x1024xi32>
      %xor3A_783 = arith.xori %add3A_775, %or3A_782 : vector<8x1024xi32>
      %add3A_784 = arith.addi %add3A_775, %xor3A_783 : vector<8x1024xi32>
      %shift_left3A_785 = arith.constant 6 : i32
      %shift_left3A_786 = vector.broadcast %shift_left3A_785 : i32 to vector<8x1024xi32>
      %shift_left3A_787 = arith.shli %xor3A_783, %shift_left3A_786 : vector<8x1024xi32>
      %shift_right_logical3A_788 = arith.constant 26 : i32
      %shift_right_logical3A_789 = vector.broadcast %shift_right_logical3A_788 : i32 to vector<8x1024xi32>
      %shift_right_logical3A_790 = arith.shrui %xor3A_783, %shift_right_logical3A_789 : vector<8x1024xi32>
      %or3A_791 = arith.ori %shift_left3A_787, %shift_right_logical3A_790 : vector<8x1024xi32>
      %xor3A_792 = arith.xori %add3A_784, %or3A_791 : vector<8x1024xi32>
      %add3A_793 = arith.constant 466689008 : i32
      %add3A_794 = vector.broadcast %add3A_793 : i32 to vector<8x1024xi32>
      %add3A_795 = arith.addi %add3A_784, %add3A_794 : vector<8x1024xi32>
      %add3A_796 = arith.constant 0 : i32
      %add3A_797 = vector.broadcast %add3A_796 : i32 to vector<8x1024xi32>
      %add3A_798 = arith.addi %xor3A_792, %add3A_797 : vector<8x1024xi32>
      %add3A_799 = arith.constant 5 : i32
      %add3A_800 = vector.broadcast %add3A_799 : i32 to vector<8x1024xi32>
      %add3A_801 = arith.addi %add3A_798, %add3A_800 : vector<8x1024xi32>
      %xor3A_802 = arith.xori %add3A_795, %add3A_801 : vector<8x1024xi32>
      %shift_right_logical3A_803 = arith.constant 9 : i32
      %shift_right_logical3A_804 = vector.broadcast %shift_right_logical3A_803 : i32 to vector<8x1024xi32>
      %shift_right_logical3A_805 = arith.shrui %xor3A_802, %shift_right_logical3A_804 : vector<8x1024xi32>
      %or3A_806 = arith.constant 1065353216 : i32
      %or3A_807 = vector.broadcast %or3A_806 : i32 to vector<8x1024xi32>
      %or3A_808 = arith.ori %shift_right_logical3A_805, %or3A_807 : vector<8x1024xi32>
      %bitcast_convert_type3A_809 = tpu.bitcast %or3A_808 : vector<8x1024xi32> -> vector<8x1024xf32>
      %sub3A_810 = arith.constant 1.000000e+00 : f32
      %sub3A_811 = vector.broadcast %sub3A_810 : f32 to vector<8x1024xf32>
      %sub3A_812 = arith.subf %bitcast_convert_type3A_809, %sub3A_811 : vector<8x1024xf32>
      %max3A_813 = arith.constant 1.17549435E-38 : f32
      %max3A_814 = vector.broadcast %max3A_813 : f32 to vector<8x1024xf32>
      %max3A_815 = arith.maximumf %sub3A_812, %max3A_814 : vector<8x1024xf32>
      %log3A_816 = math.log %max3A_815 : vector<8x1024xf32>
      %neg3A_817 = arith.constant 0.000000e+00 : f32
      %neg3A_818 = vector.broadcast %neg3A_817 : f32 to vector<8x1024xf32>
      %neg3A_819 = arith.subf %neg3A_818, %log3A_816 : vector<8x1024xf32>
      %log3A_820 = math.log %neg3A_819 : vector<8x1024xf32>
      %neg3A_821 = arith.constant 0.000000e+00 : f32
      %neg3A_822 = vector.broadcast %neg3A_821 : f32 to vector<8x1024xf32>
      %neg3A_823 = arith.subf %neg3A_822, %log3A_820 : vector<8x1024xf32>
      %log3A_824 = math.log %get3A_571 : vector<8x1024xf32>
      %add3A_825 = arith.addf %neg3A_823, %log3A_824 : vector<8x1024xf32>
      %gt3A_826 = arith.cmpf ogt, %add3A_825, %select_n3A_559 : vector<8x1024xf32>
      %select_n3A_827 = arith.select %gt3A_826, %add3A_825, %select_n3A_559 : vector<8x1024xi1>, vector<8x1024xf32>
      %select_n3A_828 = arith.select %gt3A_826, %add3A_566, %select_n3A_560 : vector<8x1024xi1>, vector<8x1024xi32>
      %scan3A_829 = arith.constant 3 : i32
      %scan3A_830 = arith.addi %scan3A_34, %scan3A_829 : i32
      %mul3A_831 = arith.constant 8192 : i32
      %mul3A_832 = arith.muli %scan3A_830, %mul3A_831 : i32
      %add3A_833 = vector.broadcast %mul3A_832 : i32 to vector<8x1024xi32>
      %add3A_834 = arith.addi %add3A_8, %add3A_833 : vector<8x1024xi32>
      %mul3A_835 = arith.constant 8 : i32
      %mul3A_836 = arith.muli %scan3A_830, %mul3A_835 : i32
      %get3A_837 = arith.index_cast %mul3A_836 : i32 to index
      %get3A_838 = arith.constant 0 : index
      %get3A_839 = vector.load %arg1[%get3A_837, %get3A_838] : memref<256x1024xf32, #tpu.memory_space<vmem>>, vector<8x1024xf32>
      %broadcast_in_dim3A_840 = arith.constant 0 : i32
      %broadcast_in_dim3A_841 = vector.broadcast %broadcast_in_dim3A_840 : i32 to vector<8x1024xi32>
      %add3A_842 = arith.constant 42 : i32
      %add3A_843 = vector.broadcast %add3A_842 : i32 to vector<8x1024xi32>
      %add3A_844 = arith.addi %add3A_834, %add3A_843 : vector<8x1024xi32>
      %add3A_845 = arith.addi %broadcast_in_dim3A_841, %add3A_844 : vector<8x1024xi32>
      %shift_left3A_846 = arith.constant 13 : i32
      %shift_left3A_847 = vector.broadcast %shift_left3A_846 : i32 to vector<8x1024xi32>
      %shift_left3A_848 = arith.shli %add3A_844, %shift_left3A_847 : vector<8x1024xi32>
      %shift_right_logical3A_849 = arith.constant 19 : i32
      %shift_right_logical3A_850 = vector.broadcast %shift_right_logical3A_849 : i32 to vector<8x1024xi32>
      %shift_right_logical3A_851 = arith.shrui %add3A_844, %shift_right_logical3A_850 : vector<8x1024xi32>
      %or3A_852 = arith.ori %shift_left3A_848, %shift_right_logical3A_851 : vector<8x1024xi32>
      %xor3A_853 = arith.xori %add3A_845, %or3A_852 : vector<8x1024xi32>
      %add3A_854 = arith.addi %add3A_845, %xor3A_853 : vector<8x1024xi32>
      %shift_left3A_855 = arith.constant 15 : i32
      %shift_left3A_856 = vector.broadcast %shift_left3A_855 : i32 to vector<8x1024xi32>
      %shift_left3A_857 = arith.shli %xor3A_853, %shift_left3A_856 : vector<8x1024xi32>
      %shift_right_logical3A_858 = arith.constant 17 : i32
      %shift_right_logical3A_859 = vector.broadcast %shift_right_logical3A_858 : i32 to vector<8x1024xi32>
      %shift_right_logical3A_860 = arith.shrui %xor3A_853, %shift_right_logical3A_859 : vector<8x1024xi32>
      %or3A_861 = arith.ori %shift_left3A_857, %shift_right_logical3A_860 : vector<8x1024xi32>
      %xor3A_862 = arith.xori %add3A_854, %or3A_861 : vector<8x1024xi32>
      %add3A_863 = arith.addi %add3A_854, %xor3A_862 : vector<8x1024xi32>
      %shift_left3A_864 = arith.constant 26 : i32
      %shift_left3A_865 = vector.broadcast %shift_left3A_864 : i32 to vector<8x1024xi32>
      %shift_left3A_866 = arith.shli %xor3A_862, %shift_left3A_865 : vector<8x1024xi32>
      %shift_right_logical3A_867 = arith.constant 6 : i32
      %shift_right_logical3A_868 = vector.broadcast %shift_right_logical3A_867 : i32 to vector<8x1024xi32>
      %shift_right_logical3A_869 = arith.shrui %xor3A_862, %shift_right_logical3A_868 : vector<8x1024xi32>
      %or3A_870 = arith.ori %shift_left3A_866, %shift_right_logical3A_869 : vector<8x1024xi32>
      %xor3A_871 = arith.xori %add3A_863, %or3A_870 : vector<8x1024xi32>
      %add3A_872 = arith.addi %add3A_863, %xor3A_871 : vector<8x1024xi32>
      %shift_left3A_873 = arith.constant 6 : i32
      %shift_left3A_874 = vector.broadcast %shift_left3A_873 : i32 to vector<8x1024xi32>
      %shift_left3A_875 = arith.shli %xor3A_871, %shift_left3A_874 : vector<8x1024xi32>
      %shift_right_logical3A_876 = arith.constant 26 : i32
      %shift_right_logical3A_877 = vector.broadcast %shift_right_logical3A_876 : i32 to vector<8x1024xi32>
      %shift_right_logical3A_878 = arith.shrui %xor3A_871, %shift_right_logical3A_877 : vector<8x1024xi32>
      %or3A_879 = arith.ori %shift_left3A_875, %shift_right_logical3A_878 : vector<8x1024xi32>
      %xor3A_880 = arith.xori %add3A_872, %or3A_879 : vector<8x1024xi32>
      %add3A_881 = arith.constant 42 : i32
      %add3A_882 = vector.broadcast %add3A_881 : i32 to vector<8x1024xi32>
      %add3A_883 = arith.addi %add3A_872, %add3A_882 : vector<8x1024xi32>
      %add3A_884 = arith.constant 466689008 : i32
      %add3A_885 = vector.broadcast %add3A_884 : i32 to vector<8x1024xi32>
      %add3A_886 = arith.addi %xor3A_880, %add3A_885 : vector<8x1024xi32>
      %add3A_887 = arith.constant 1 : i32
      %add3A_888 = vector.broadcast %add3A_887 : i32 to vector<8x1024xi32>
      %add3A_889 = arith.addi %add3A_886, %add3A_888 : vector<8x1024xi32>
      %add3A_890 = arith.addi %add3A_883, %add3A_889 : vector<8x1024xi32>
      %shift_left3A_891 = arith.constant 17 : i32
      %shift_left3A_892 = vector.broadcast %shift_left3A_891 : i32 to vector<8x1024xi32>
      %shift_left3A_893 = arith.shli %add3A_889, %shift_left3A_892 : vector<8x1024xi32>
      %shift_right_logical3A_894 = arith.constant 15 : i32
      %shift_right_logical3A_895 = vector.broadcast %shift_right_logical3A_894 : i32 to vector<8x1024xi32>
      %shift_right_logical3A_896 = arith.shrui %add3A_889, %shift_right_logical3A_895 : vector<8x1024xi32>
      %or3A_897 = arith.ori %shift_left3A_893, %shift_right_logical3A_896 : vector<8x1024xi32>
      %xor3A_898 = arith.xori %add3A_890, %or3A_897 : vector<8x1024xi32>
      %add3A_899 = arith.addi %add3A_890, %xor3A_898 : vector<8x1024xi32>
      %shift_left3A_900 = arith.constant 29 : i32
      %shift_left3A_901 = vector.broadcast %shift_left3A_900 : i32 to vector<8x1024xi32>
      %shift_left3A_902 = arith.shli %xor3A_898, %shift_left3A_901 : vector<8x1024xi32>
      %shift_right_logical3A_903 = arith.constant 3 : i32
      %shift_right_logical3A_904 = vector.broadcast %shift_right_logical3A_903 : i32 to vector<8x1024xi32>
      %shift_right_logical3A_905 = arith.shrui %xor3A_898, %shift_right_logical3A_904 : vector<8x1024xi32>
      %or3A_906 = arith.ori %shift_left3A_902, %shift_right_logical3A_905 : vector<8x1024xi32>
      %xor3A_907 = arith.xori %add3A_899, %or3A_906 : vector<8x1024xi32>
      %add3A_908 = arith.addi %add3A_899, %xor3A_907 : vector<8x1024xi32>
      %shift_left3A_909 = arith.constant 16 : i32
      %shift_left3A_910 = vector.broadcast %shift_left3A_909 : i32 to vector<8x1024xi32>
      %shift_left3A_911 = arith.shli %xor3A_907, %shift_left3A_910 : vector<8x1024xi32>
      %shift_right_logical3A_912 = arith.constant 16 : i32
      %shift_right_logical3A_913 = vector.broadcast %shift_right_logical3A_912 : i32 to vector<8x1024xi32>
      %shift_right_logical3A_914 = arith.shrui %xor3A_907, %shift_right_logical3A_913 : vector<8x1024xi32>
      %or3A_915 = arith.ori %shift_left3A_911, %shift_right_logical3A_914 : vector<8x1024xi32>
      %xor3A_916 = arith.xori %add3A_908, %or3A_915 : vector<8x1024xi32>
      %add3A_917 = arith.addi %add3A_908, %xor3A_916 : vector<8x1024xi32>
      %shift_left3A_918 = arith.constant 24 : i32
      %shift_left3A_919 = vector.broadcast %shift_left3A_918 : i32 to vector<8x1024xi32>
      %shift_left3A_920 = arith.shli %xor3A_916, %shift_left3A_919 : vector<8x1024xi32>
      %shift_right_logical3A_921 = arith.constant 8 : i32
      %shift_right_logical3A_922 = vector.broadcast %shift_right_logical3A_921 : i32 to vector<8x1024xi32>
      %shift_right_logical3A_923 = arith.shrui %xor3A_916, %shift_right_logical3A_922 : vector<8x1024xi32>
      %or3A_924 = arith.ori %shift_left3A_920, %shift_right_logical3A_923 : vector<8x1024xi32>
      %xor3A_925 = arith.xori %add3A_917, %or3A_924 : vector<8x1024xi32>
      %add3A_926 = arith.constant 466689008 : i32
      %add3A_927 = vector.broadcast %add3A_926 : i32 to vector<8x1024xi32>
      %add3A_928 = arith.addi %add3A_917, %add3A_927 : vector<8x1024xi32>
      %add3A_929 = arith.constant 0 : i32
      %add3A_930 = vector.broadcast %add3A_929 : i32 to vector<8x1024xi32>
      %add3A_931 = arith.addi %xor3A_925, %add3A_930 : vector<8x1024xi32>
      %add3A_932 = arith.constant 2 : i32
      %add3A_933 = vector.broadcast %add3A_932 : i32 to vector<8x1024xi32>
      %add3A_934 = arith.addi %add3A_931, %add3A_933 : vector<8x1024xi32>
      %add3A_935 = arith.addi %add3A_928, %add3A_934 : vector<8x1024xi32>
      %shift_left3A_936 = arith.constant 13 : i32
      %shift_left3A_937 = vector.broadcast %shift_left3A_936 : i32 to vector<8x1024xi32>
      %shift_left3A_938 = arith.shli %add3A_934, %shift_left3A_937 : vector<8x1024xi32>
      %shift_right_logical3A_939 = arith.constant 19 : i32
      %shift_right_logical3A_940 = vector.broadcast %shift_right_logical3A_939 : i32 to vector<8x1024xi32>
      %shift_right_logical3A_941 = arith.shrui %add3A_934, %shift_right_logical3A_940 : vector<8x1024xi32>
      %or3A_942 = arith.ori %shift_left3A_938, %shift_right_logical3A_941 : vector<8x1024xi32>
      %xor3A_943 = arith.xori %add3A_935, %or3A_942 : vector<8x1024xi32>
      %add3A_944 = arith.addi %add3A_935, %xor3A_943 : vector<8x1024xi32>
      %shift_left3A_945 = arith.constant 15 : i32
      %shift_left3A_946 = vector.broadcast %shift_left3A_945 : i32 to vector<8x1024xi32>
      %shift_left3A_947 = arith.shli %xor3A_943, %shift_left3A_946 : vector<8x1024xi32>
      %shift_right_logical3A_948 = arith.constant 17 : i32
      %shift_right_logical3A_949 = vector.broadcast %shift_right_logical3A_948 : i32 to vector<8x1024xi32>
      %shift_right_logical3A_950 = arith.shrui %xor3A_943, %shift_right_logical3A_949 : vector<8x1024xi32>
      %or3A_951 = arith.ori %shift_left3A_947, %shift_right_logical3A_950 : vector<8x1024xi32>
      %xor3A_952 = arith.xori %add3A_944, %or3A_951 : vector<8x1024xi32>
      %add3A_953 = arith.addi %add3A_944, %xor3A_952 : vector<8x1024xi32>
      %shift_left3A_954 = arith.constant 26 : i32
      %shift_left3A_955 = vector.broadcast %shift_left3A_954 : i32 to vector<8x1024xi32>
      %shift_left3A_956 = arith.shli %xor3A_952, %shift_left3A_955 : vector<8x1024xi32>
      %shift_right_logical3A_957 = arith.constant 6 : i32
      %shift_right_logical3A_958 = vector.broadcast %shift_right_logical3A_957 : i32 to vector<8x1024xi32>
      %shift_right_logical3A_959 = arith.shrui %xor3A_952, %shift_right_logical3A_958 : vector<8x1024xi32>
      %or3A_960 = arith.ori %shift_left3A_956, %shift_right_logical3A_959 : vector<8x1024xi32>
      %xor3A_961 = arith.xori %add3A_953, %or3A_960 : vector<8x1024xi32>
      %add3A_962 = arith.addi %add3A_953, %xor3A_961 : vector<8x1024xi32>
      %shift_left3A_963 = arith.constant 6 : i32
      %shift_left3A_964 = vector.broadcast %shift_left3A_963 : i32 to vector<8x1024xi32>
      %shift_left3A_965 = arith.shli %xor3A_961, %shift_left3A_964 : vector<8x1024xi32>
      %shift_right_logical3A_966 = arith.constant 26 : i32
      %shift_right_logical3A_967 = vector.broadcast %shift_right_logical3A_966 : i32 to vector<8x1024xi32>
      %shift_right_logical3A_968 = arith.shrui %xor3A_961, %shift_right_logical3A_967 : vector<8x1024xi32>
      %or3A_969 = arith.ori %shift_left3A_965, %shift_right_logical3A_968 : vector<8x1024xi32>
      %xor3A_970 = arith.xori %add3A_962, %or3A_969 : vector<8x1024xi32>
      %add3A_971 = arith.constant 0 : i32
      %add3A_972 = vector.broadcast %add3A_971 : i32 to vector<8x1024xi32>
      %add3A_973 = arith.addi %add3A_962, %add3A_972 : vector<8x1024xi32>
      %add3A_974 = arith.constant 42 : i32
      %add3A_975 = vector.broadcast %add3A_974 : i32 to vector<8x1024xi32>
      %add3A_976 = arith.addi %xor3A_970, %add3A_975 : vector<8x1024xi32>
      %add3A_977 = arith.constant 3 : i32
      %add3A_978 = vector.broadcast %add3A_977 : i32 to vector<8x1024xi32>
      %add3A_979 = arith.addi %add3A_976, %add3A_978 : vector<8x1024xi32>
      %add3A_980 = arith.addi %add3A_973, %add3A_979 : vector<8x1024xi32>
      %shift_left3A_981 = arith.constant 17 : i32
      %shift_left3A_982 = vector.broadcast %shift_left3A_981 : i32 to vector<8x1024xi32>
      %shift_left3A_983 = arith.shli %add3A_979, %shift_left3A_982 : vector<8x1024xi32>
      %shift_right_logical3A_984 = arith.constant 15 : i32
      %shift_right_logical3A_985 = vector.broadcast %shift_right_logical3A_984 : i32 to vector<8x1024xi32>
      %shift_right_logical3A_986 = arith.shrui %add3A_979, %shift_right_logical3A_985 : vector<8x1024xi32>
      %or3A_987 = arith.ori %shift_left3A_983, %shift_right_logical3A_986 : vector<8x1024xi32>
      %xor3A_988 = arith.xori %add3A_980, %or3A_987 : vector<8x1024xi32>
      %add3A_989 = arith.addi %add3A_980, %xor3A_988 : vector<8x1024xi32>
      %shift_left3A_990 = arith.constant 29 : i32
      %shift_left3A_991 = vector.broadcast %shift_left3A_990 : i32 to vector<8x1024xi32>
      %shift_left3A_992 = arith.shli %xor3A_988, %shift_left3A_991 : vector<8x1024xi32>
      %shift_right_logical3A_993 = arith.constant 3 : i32
      %shift_right_logical3A_994 = vector.broadcast %shift_right_logical3A_993 : i32 to vector<8x1024xi32>
      %shift_right_logical3A_995 = arith.shrui %xor3A_988, %shift_right_logical3A_994 : vector<8x1024xi32>
      %or3A_996 = arith.ori %shift_left3A_992, %shift_right_logical3A_995 : vector<8x1024xi32>
      %xor3A_997 = arith.xori %add3A_989, %or3A_996 : vector<8x1024xi32>
      %add3A_998 = arith.addi %add3A_989, %xor3A_997 : vector<8x1024xi32>
      %shift_left3A_999 = arith.constant 16 : i32
      %shift_left3A_1000 = vector.broadcast %shift_left3A_999 : i32 to vector<8x1024xi32>
      %shift_left3A_1001 = arith.shli %xor3A_997, %shift_left3A_1000 : vector<8x1024xi32>
      %shift_right_logical3A_1002 = arith.constant 16 : i32
      %shift_right_logical3A_1003 = vector.broadcast %shift_right_logical3A_1002 : i32 to vector<8x1024xi32>
      %shift_right_logical3A_1004 = arith.shrui %xor3A_997, %shift_right_logical3A_1003 : vector<8x1024xi32>
      %or3A_1005 = arith.ori %shift_left3A_1001, %shift_right_logical3A_1004 : vector<8x1024xi32>
      %xor3A_1006 = arith.xori %add3A_998, %or3A_1005 : vector<8x1024xi32>
      %add3A_1007 = arith.addi %add3A_998, %xor3A_1006 : vector<8x1024xi32>
      %shift_left3A_1008 = arith.constant 24 : i32
      %shift_left3A_1009 = vector.broadcast %shift_left3A_1008 : i32 to vector<8x1024xi32>
      %shift_left3A_1010 = arith.shli %xor3A_1006, %shift_left3A_1009 : vector<8x1024xi32>
      %shift_right_logical3A_1011 = arith.constant 8 : i32
      %shift_right_logical3A_1012 = vector.broadcast %shift_right_logical3A_1011 : i32 to vector<8x1024xi32>
      %shift_right_logical3A_1013 = arith.shrui %xor3A_1006, %shift_right_logical3A_1012 : vector<8x1024xi32>
      %or3A_1014 = arith.ori %shift_left3A_1010, %shift_right_logical3A_1013 : vector<8x1024xi32>
      %xor3A_1015 = arith.xori %add3A_1007, %or3A_1014 : vector<8x1024xi32>
      %add3A_1016 = arith.constant 42 : i32
      %add3A_1017 = vector.broadcast %add3A_1016 : i32 to vector<8x1024xi32>
      %add3A_1018 = arith.addi %add3A_1007, %add3A_1017 : vector<8x1024xi32>
      %add3A_1019 = arith.constant 466689008 : i32
      %add3A_1020 = vector.broadcast %add3A_1019 : i32 to vector<8x1024xi32>
      %add3A_1021 = arith.addi %xor3A_1015, %add3A_1020 : vector<8x1024xi32>
      %add3A_1022 = arith.constant 4 : i32
      %add3A_1023 = vector.broadcast %add3A_1022 : i32 to vector<8x1024xi32>
      %add3A_1024 = arith.addi %add3A_1021, %add3A_1023 : vector<8x1024xi32>
      %add3A_1025 = arith.addi %add3A_1018, %add3A_1024 : vector<8x1024xi32>
      %shift_left3A_1026 = arith.constant 13 : i32
      %shift_left3A_1027 = vector.broadcast %shift_left3A_1026 : i32 to vector<8x1024xi32>
      %shift_left3A_1028 = arith.shli %add3A_1024, %shift_left3A_1027 : vector<8x1024xi32>
      %shift_right_logical3A_1029 = arith.constant 19 : i32
      %shift_right_logical3A_1030 = vector.broadcast %shift_right_logical3A_1029 : i32 to vector<8x1024xi32>
      %shift_right_logical3A_1031 = arith.shrui %add3A_1024, %shift_right_logical3A_1030 : vector<8x1024xi32>
      %or3A_1032 = arith.ori %shift_left3A_1028, %shift_right_logical3A_1031 : vector<8x1024xi32>
      %xor3A_1033 = arith.xori %add3A_1025, %or3A_1032 : vector<8x1024xi32>
      %add3A_1034 = arith.addi %add3A_1025, %xor3A_1033 : vector<8x1024xi32>
      %shift_left3A_1035 = arith.constant 15 : i32
      %shift_left3A_1036 = vector.broadcast %shift_left3A_1035 : i32 to vector<8x1024xi32>
      %shift_left3A_1037 = arith.shli %xor3A_1033, %shift_left3A_1036 : vector<8x1024xi32>
      %shift_right_logical3A_1038 = arith.constant 17 : i32
      %shift_right_logical3A_1039 = vector.broadcast %shift_right_logical3A_1038 : i32 to vector<8x1024xi32>
      %shift_right_logical3A_1040 = arith.shrui %xor3A_1033, %shift_right_logical3A_1039 : vector<8x1024xi32>
      %or3A_1041 = arith.ori %shift_left3A_1037, %shift_right_logical3A_1040 : vector<8x1024xi32>
      %xor3A_1042 = arith.xori %add3A_1034, %or3A_1041 : vector<8x1024xi32>
      %add3A_1043 = arith.addi %add3A_1034, %xor3A_1042 : vector<8x1024xi32>
      %shift_left3A_1044 = arith.constant 26 : i32
      %shift_left3A_1045 = vector.broadcast %shift_left3A_1044 : i32 to vector<8x1024xi32>
      %shift_left3A_1046 = arith.shli %xor3A_1042, %shift_left3A_1045 : vector<8x1024xi32>
      %shift_right_logical3A_1047 = arith.constant 6 : i32
      %shift_right_logical3A_1048 = vector.broadcast %shift_right_logical3A_1047 : i32 to vector<8x1024xi32>
      %shift_right_logical3A_1049 = arith.shrui %xor3A_1042, %shift_right_logical3A_1048 : vector<8x1024xi32>
      %or3A_1050 = arith.ori %shift_left3A_1046, %shift_right_logical3A_1049 : vector<8x1024xi32>
      %xor3A_1051 = arith.xori %add3A_1043, %or3A_1050 : vector<8x1024xi32>
      %add3A_1052 = arith.addi %add3A_1043, %xor3A_1051 : vector<8x1024xi32>
      %shift_left3A_1053 = arith.constant 6 : i32
      %shift_left3A_1054 = vector.broadcast %shift_left3A_1053 : i32 to vector<8x1024xi32>
      %shift_left3A_1055 = arith.shli %xor3A_1051, %shift_left3A_1054 : vector<8x1024xi32>
      %shift_right_logical3A_1056 = arith.constant 26 : i32
      %shift_right_logical3A_1057 = vector.broadcast %shift_right_logical3A_1056 : i32 to vector<8x1024xi32>
      %shift_right_logical3A_1058 = arith.shrui %xor3A_1051, %shift_right_logical3A_1057 : vector<8x1024xi32>
      %or3A_1059 = arith.ori %shift_left3A_1055, %shift_right_logical3A_1058 : vector<8x1024xi32>
      %xor3A_1060 = arith.xori %add3A_1052, %or3A_1059 : vector<8x1024xi32>
      %add3A_1061 = arith.constant 466689008 : i32
      %add3A_1062 = vector.broadcast %add3A_1061 : i32 to vector<8x1024xi32>
      %add3A_1063 = arith.addi %add3A_1052, %add3A_1062 : vector<8x1024xi32>
      %add3A_1064 = arith.constant 0 : i32
      %add3A_1065 = vector.broadcast %add3A_1064 : i32 to vector<8x1024xi32>
      %add3A_1066 = arith.addi %xor3A_1060, %add3A_1065 : vector<8x1024xi32>
      %add3A_1067 = arith.constant 5 : i32
      %add3A_1068 = vector.broadcast %add3A_1067 : i32 to vector<8x1024xi32>
      %add3A_1069 = arith.addi %add3A_1066, %add3A_1068 : vector<8x1024xi32>
      %xor3A_1070 = arith.xori %add3A_1063, %add3A_1069 : vector<8x1024xi32>
      %shift_right_logical3A_1071 = arith.constant 9 : i32
      %shift_right_logical3A_1072 = vector.broadcast %shift_right_logical3A_1071 : i32 to vector<8x1024xi32>
      %shift_right_logical3A_1073 = arith.shrui %xor3A_1070, %shift_right_logical3A_1072 : vector<8x1024xi32>
      %or3A_1074 = arith.constant 1065353216 : i32
      %or3A_1075 = vector.broadcast %or3A_1074 : i32 to vector<8x1024xi32>
      %or3A_1076 = arith.ori %shift_right_logical3A_1073, %or3A_1075 : vector<8x1024xi32>
      %bitcast_convert_type3A_1077 = tpu.bitcast %or3A_1076 : vector<8x1024xi32> -> vector<8x1024xf32>
      %sub3A_1078 = arith.constant 1.000000e+00 : f32
      %sub3A_1079 = vector.broadcast %sub3A_1078 : f32 to vector<8x1024xf32>
      %sub3A_1080 = arith.subf %bitcast_convert_type3A_1077, %sub3A_1079 : vector<8x1024xf32>
      %max3A_1081 = arith.constant 1.17549435E-38 : f32
      %max3A_1082 = vector.broadcast %max3A_1081 : f32 to vector<8x1024xf32>
      %max3A_1083 = arith.maximumf %sub3A_1080, %max3A_1082 : vector<8x1024xf32>
      %log3A_1084 = math.log %max3A_1083 : vector<8x1024xf32>
      %neg3A_1085 = arith.constant 0.000000e+00 : f32
      %neg3A_1086 = vector.broadcast %neg3A_1085 : f32 to vector<8x1024xf32>
      %neg3A_1087 = arith.subf %neg3A_1086, %log3A_1084 : vector<8x1024xf32>
      %log3A_1088 = math.log %neg3A_1087 : vector<8x1024xf32>
      %neg3A_1089 = arith.constant 0.000000e+00 : f32
      %neg3A_1090 = vector.broadcast %neg3A_1089 : f32 to vector<8x1024xf32>
      %neg3A_1091 = arith.subf %neg3A_1090, %log3A_1088 : vector<8x1024xf32>
      %log3A_1092 = math.log %get3A_839 : vector<8x1024xf32>
      %add3A_1093 = arith.addf %neg3A_1091, %log3A_1092 : vector<8x1024xf32>
      %gt3A_1094 = arith.cmpf ogt, %add3A_1093, %select_n3A_827 : vector<8x1024xf32>
      %select_n3A_1095 = arith.select %gt3A_1094, %add3A_1093, %select_n3A_827 : vector<8x1024xi1>, vector<8x1024xf32>
      %select_n3A_1096 = arith.select %gt3A_1094, %add3A_834, %select_n3A_828 : vector<8x1024xi1>, vector<8x1024xi32>
      scf.yield %select_n3A_1095, %select_n3A_1096 : vector<8x1024xf32>, vector<8x1024xi32>
    }
    %scan3A_25 = arith.constant 32 : i32
    %swap3A = arith.constant 0 : index
    %swap3A_26 = arith.constant 0 : index
    %swap3A_27 = vector.load %arg4[%swap3A, %swap3A_26] : memref<8x1024xf32, #tpu.memory_space<vmem>>, vector<8x1024xf32>
    tpu.vector_store %arg4[%swap3A, %swap3A_26], %scan3A_24#0 {strides = array<i32>} : memref<8x1024xf32, #tpu.memory_space<vmem>>, vector<8x1024xf32>,
    %swap3A_28 = arith.constant 0 : index
    %swap3A_29 = arith.constant 0 : index
    %swap3A_30 = vector.load %arg5[%swap3A_28, %swap3A_29] : memref<8x1024xi32, #tpu.memory_space<vmem>>, vector<8x1024xi32>
    tpu.vector_store %arg5[%swap3A_28, %swap3A_29], %scan3A_24#1 {strides = array<i32>} : memref<8x1024xi32, #tpu.memory_space<vmem>>, vector<8x1024xi32>,
    %eq3A_31 = arith.constant 2 : i32
    %eq3A_32 = arith.cmpi eq, %arg0, %eq3A_31 : i32
    %convert_element_type3A = arith.extui %eq3A_32 : i1 to i32
    %cond3A = arith.constant 0 : i32
    %cond3A_33 = arith.cmpi ne, %convert_element_type3A, %cond3A : i32
    scf.if %cond3A_33 {
      %reduce_max3A = vector.shape_cast %scan3A_24#0 : vector<8x1024xf32> to vector<1x8x1024xf32>
      %reduce_max3A_34 = arith.constant dense<0xFF800000> : vector<1xf32>
      %reduce_max3A_35 = vector.multi_reduction <maximumf>, %reduce_max3A, %reduce_max3A_34 [1, 2] : vector<1x8x1024xf32> to vector<1xf32>
      %reduce_max3A_36 = vector.shape_cast %reduce_max3A_35 : vector<1xf32> to vector<1x1x1xf32>
      %reduce_max3A_37 = vector.extract %reduce_max3A_36[0, 0, 0] : f32 from vector<1x1x1xf32>
      %eq3A_38 = vector.broadcast %reduce_max3A_37 : f32 to vector<8x1024xf32>
      %eq3A_39 = arith.cmpf oeq, %scan3A_24#0, %eq3A_38 : vector<8x1024xf32>
      %jit3A = arith.constant 2147483647 : i32
      %broadcast_in_dim3A_40 = vector.broadcast %jit3A : i32 to vector<8x1024xi32>
      %select_n3A_41 = arith.select %eq3A_39, %scan3A_24#1, %broadcast_in_dim3A_40 : vector<8x1024xi1>, vector<8x1024xi32>
      %reduce_min3A = vector.shape_cast %select_n3A_41 : vector<8x1024xi32> to vector<1x8x1024xi32>
      %reduce_min3A_42 = arith.constant dense<2147483647> : vector<1xi32>
      %reduce_min3A_43 = vector.multi_reduction <minsi>, %reduce_min3A, %reduce_min3A_42 [1, 2] : vector<1x8x1024xi32> to vector<1xi32>
      %reduce_min3A_44 = vector.shape_cast %reduce_min3A_43 : vector<1xi32> to vector<1x1x1xi32>
      %reduce_min3A_45 = vector.extract %reduce_min3A_44[0, 0, 0] : i32 from vector<1x1x1xi32>
      %swap3A_46 = arith.constant 0 : index
      %swap3A_47 = memref.load %arg2[%swap3A_46] : memref<1xi32, #tpu.memory_space<smem>>
      memref.store %reduce_min3A_45, %arg2[%swap3A_46] : memref<1xi32, #tpu.memory_space<smem>>
      %swap3A_48 = arith.constant 0 : index
      %swap3A_49 = memref.load %arg3[%swap3A_48] : memref<1xf32, #tpu.memory_space<smem>>
      memref.store %reduce_max3A_37, %arg3[%swap3A_48] : memref<1xf32, #tpu.memory_space<smem>>
    } else {
    }
    return
  }
  func.func @transform_0(%arg0: i32) -> (i32, i32) {
    %c0_i32 = arith.constant 0 : i32
    %c0_i32_0 = arith.constant 0 : i32
    return %arg0, %c0_i32 : i32, i32
  }
  func.func @transform_1(%arg0: i32) -> i32 {
    %c0_i32 = arith.constant 0 : i32
    %c0_i32_0 = arith.constant 0 : i32
    return %c0_i32 : i32
  }
  func.func @transform_2(%arg0: i32) -> i32 {
    %c0_i32 = arith.constant 0 : i32
    %c0_i32_0 = arith.constant 0 : i32
    return %c0_i32 : i32
  }
}

</mosaic_0001>

<sc_bundles>
// kernel: kernel.4.cloned.1.call-start
scs
__scs_entry_jumppad:
0x0: {  	(pc) =	sbr.rel $0x88, $3  }
0x1: {  	(tag) =	ssettag $0x0;
	lr =	simm.s32 $0x1  }
0x2: {  	[smem:$0x3FA0] =	sst lr;
	_ =	strace $0xD0000000  }
0x3: {  	_ = 	snop  }
0x4: {  	_ = 	snop  }
0x5: {  	_ = 	snop  }
0x6: {  	_ = 	snop  }
0x7: {  	_ = 	snop  }
__scs_overlays_trampoline_lowered:
0x8: {  	[smem:$0x3FAF] =	sst s0  }
0x9: {  	[smem:$0x3FB0] =	sst s1  }
0xa: {  	[smem:$0x3FB1] =	sst s2  }
0xb: {  	[smem:$0x3FB2] =	sst s3  }
0xc: {  	[smem:$0x3FB3] =	sst s4  }
0xd: {  	[smem:$0x3FB4] =	sst s5  }
0xe: {  	[smem:$0x3FB5] =	sst s6  }
0xf: {  	[smem:$0x3FB6] =	sst s7  }
0x10: {  	[smem:$0x3FB7] =	sst s8  }
0x11: {  	[smem:$0x3FB8] =	sst s9;
	s0 =	simm.s32 @!p0 $0x0  }
0x12: {  	s1 =	sld [smem:$0x3F9E];
	s0 =	simm.s32 @p0 $0x1  }
0x13: {  	[smem:$0x3FB9] =	sst s0;
	s0 =	simm.s32 @!p1 $0x0  }
0x14: {  	s2 =	sld [smem:$0x3F9D];
	s0 =	simm.s32 @p1 $0x1  }
0x15: {  	[smem:$0x3FBA] =	sst s0;
	s0 =	simm.s32 @!p2 $0x0  }
0x16: {  	s3 =	sld [smem:$0x3FDB];
	s0 =	simm.s32 @p2 $0x1  }
0x17: {  	s4 =	simm.s32 $0x1BF5;
	[smem:$0x3FBC] =	sst s0  }
0x18: {  	s0 =	sld [smem:$0x3F9F];
	_ =	swait.ge [sflag:s4], $0x0  }
0x19: {  	s7 =	sld [smem:$0x3FA0]  }
0x1a: {  	s8 =	sadd.s32 $0xFFFFE003, lr  }
0x1b: {  	s9 =	sadd.s32 $0xFFFFFEF7, lr;
	s5 =	simm.s32 $0xFFFFFFFF;
	p2 =	slt.u32 s8, $0xFFFFF086  }
0x1c: {  	p1 =	slt.u32 s9, $0xF7A;
	s5 =	simm.s32 @!p2 $0x0  }
0x1d: {  	s5 =	simm.s32 @p1 $0x1;
	p0 =	seq.s32 s7, s2  }
0x1e: {  	s7 =	smul.u32 @!p0 $0xF7A, s2;
	p2 =	seq.s32 @!p0 s5, $0x0  }
0x1f: {  	s9 =	smul.u32 $0xF7A, s1;
	s8 =	simm.s32 @!p0 $0x1BF5;
	p2 =	por !p2, p0  }
0x20: {  	[sflag:s8] =	ssyncset.s32 @!p0 $0xFFFFF086;
	s6 =	sadd.s32 @!p0 s3, s7;
	s7 =	simm.s32 @!p0 $0x108  }
0x21: {  	s3 =	sadd.s32 s3, s9;
	s6 =	sadd.s32 @!p0 $0x88, s6;
	s7 =	simm.s32 @p2 $0x1082  }
0x22: {  	[simem:s7], [sflag:s8] =	dma.local @!p0 [hbm:s6], $0xF7A  }
0x23: {  	s9 =	sor.u32 $0xD0000000, s2;
	s6 =	simm.s32 $0x108;
	_ =	swait.ge @!p0 [sflag:s8], $0x0  }
0x24: {  	s3 =	sadd.s32 $0x88, s3;
	s6 =	simm.s32 @!p1 $0x1082;
	[sflag:s4] =	ssyncset.s32 $0xFFFFF086  }
0x25: {  	[simem:s6], [sflag:s4] =	dma.local [hbm:s3], $0xF7A  }
0x26: {  	[smem:$0x3FA0] =	sst s1;
	(tag) =	ssettag s2;
	_ =	strace s9  }
0x27: {  	s1 =	sld [smem:$0x3FB0]  }
0x28: {  	s2 =	sld [smem:$0x3FB1]  }
0x29: {  	s4 =	sld [smem:$0x3FB3]  }
0x2a: {  	p0 =	seq.s32 s5, $0x0;
	s5 =	sld [smem:$0x3FB4]  }
0x2b: {  	s6 =	sld [smem:$0x3FB5]  }
0x2c: {  	s7 =	sld [smem:$0x3FB6]  }
0x2d: {  	s3 =	simm.s32 $0x108;
	s8 =	sld [smem:$0x3FB7]  }
0x2e: {  	s3 =	simm.s32 @!p0 $0x1082;
	s9 =	sld [smem:$0x3FB8]  }
0x2f: {  	lr =	sadd.s32 s0, s3;
	s0 =	sld [smem:$0x3FAF]  }
0x30: {  	s3 =	sld [smem:$0x3FB2]  }
0x31: {  	[smem:$0x3FBB] =	sst s10  }
0x32: {  	s10 =	sld [smem:$0x3FB9];
	_ =	sdelay $0x3  }
0x33: {  	p0 =	seq.s32 s10, $0x1;
	s10 =	sld [smem:$0x3FBB];
	_ =	sdelay $0x3  }
0x34: {  	[smem:$0x3FBB] =	sst s10  }
0x35: {  	s10 =	sld [smem:$0x3FBA];
	_ =	sdelay $0x3  }
0x36: {  	p1 =	seq.s32 s10, $0x1;
	s10 =	sld [smem:$0x3FBB];
	_ =	sdelay $0x3  }
0x37: {  	[smem:$0x3FBB] =	sst s10  }
0x38: {  	s10 =	sld [smem:$0x3FBC]  }
0x39: {  	_ = 	snop;
	(pc) =	sbr.ind lr, $3  }
0x3a: {  	_ = 	snop  }
0x3b: {  	_ = 	snop  }
0x3c: {  	p2 =	seq.s32 s10, $0x1;
	s10 =	sld [smem:$0x3FBB]  }
0x3d: {  	_ =	shalt  }
0x3e: {  	_ =	shalt  }
0x3f: {  	_ =	shalt  }
0x40: {  	_ =	shalt  }
0x41: {  	_ =	shalt  }
0x42: {  	_ =	shalt  }
0x43: {  	_ =	shalt  }
0x44: {  	_ =	shalt  }
0x45: {  	_ =	shalt  }
0x46: {  	_ =	shalt  }
0x47: {  	_ =	shalt  }
0x48: {  	_ =	shalt  }
0x49: {  	_ =	shalt  }
0x4a: {  	_ =	shalt  }
0x4b: {  	_ =	shalt  }
0x4c: {  	_ =	shalt  }
0x4d: {  	_ =	shalt  }
0x4e: {  	_ =	shalt  }
0x4f: {  	_ =	shalt  }
0x50: {  	_ =	shalt  }
0x51: {  	_ =	shalt  }
0x52: {  	_ =	shalt  }
0x53: {  	_ =	shalt  }
0x54: {  	_ =	shalt  }
0x55: {  	_ =	shalt  }
0x56: {  	_ =	shalt  }
0x57: {  	_ =	shalt  }
0x58: {  	_ =	shalt  }
0x59: {  	_ =	shalt  }
0x5a: {  	_ =	shalt  }
0x5b: {  	_ =	shalt  }
0x5c: {  	_ =	shalt  }
0x5d: {  	_ =	shalt  }
0x5e: {  	_ =	shalt  }
0x5f: {  	_ =	shalt  }
0x60: {  	_ =	shalt  }
0x61: {  	_ =	shalt  }
0x62: {  	_ =	shalt  }
0x63: {  	_ =	shalt  }
0x64: {  	_ =	shalt  }
0x65: {  	_ =	shalt  }
0x66: {  	_ =	shalt  }
0x67: {  	_ =	shalt  }
0x68: {  	_ =	shalt  }
0x69: {  	_ =	shalt  }
0x6a: {  	_ =	shalt  }
0x6b: {  	_ =	shalt  }
0x6c: {  	_ =	shalt  }
0x6d: {  	_ =	shalt  }
0x6e: {  	_ =	shalt  }
0x6f: {  	_ =	shalt  }
0x70: {  	_ =	shalt  }
0x71: {  	_ =	shalt  }
0x72: {  	_ =	shalt  }
0x73: {  	_ =	shalt  }
0x74: {  	_ =	shalt  }
0x75: {  	_ =	shalt  }
0x76: {  	_ =	shalt  }
0x77: {  	_ =	shalt  }
0x78: {  	_ =	shalt  }
0x79: {  	_ =	shalt  }
0x7a: {  	_ =	shalt  }
0x7b: {  	_ =	shalt  }
0x7c: {  	_ =	shalt  }
0x7d: {  	_ =	shalt  }
0x7e: {  	_ =	shalt  }
0x7f: {  	_ =	shalt  }
0x80: {  	_ =	shalt  }
0x81: {  	_ =	shalt  }
0x82: {  	_ =	shalt  }
0x83: {  	_ =	shalt  }
0x84: {  	_ =	shalt  }
0x85: {  	_ =	shalt  }
0x86: {  	_ =	shalt  }
0x87: {  	_ =	shalt  }
.Lfunc_end0:
.L_simem_size_0:
called_computation_lowered:
.L_overlay_start_0:
0x88: {  	s2 =	sld [smem:$0x3FD9]  }
0x89: {  	s3 =	sld [smem:$0x3FFE];
	_ =	sdelay $0x1  }
0x8a: {  	s1 =	srdreg.scid  }
0x8b: {  	s0 =	sand.u32 $0x1, s1  }
0x8c: {  	s17 =	sshll.u32 s0, $0xA;
	s2 =	sadd.s32 s3, s2  }
0x8d: {  	s2 =	sadd.s32 s2, s17  }
0x8e: {  	[smem:$0x3FC7] =	sst s2  }
0x8f: {  	_ = 	snop  }
0x90: {  	s2 =	sld [smem:$0x3FC9];
	(tm) =	ssettm $0x1  }
0x91: {  	s18 =	sld [smem:$0x3FFB];
	_ =	sdelay $0x3  }
0x92: {  	_ =	strace s18  }
0x93: {  	s3 =	sld [smem:$0x3FFC];
	_ =	sdelay $0x3  }
0x94: {  	_ =	strace s3  }
0x95: {  	s3 =	sld [smem:$0x3FFD];
	_ =	sdelay $0x3  }
0x96: {  	_ =	strace s3  }
0x97: {  	_ =	strace $0x8FFFFFFF  }
0x98: {  	s19 =	sld [smem:$0x3FDB];
	_ =	sdelay $0x1  }
0x99: {  	s4 =	simm.s32 $_scs_section_size  }
0x9a: {  	s5 =	simm.s32 $_size__tile_overlayer_lowered;
	s6 =	simm.s32 $_tile_overlayer_lowered  }
0x9b: {  	s22 =	simm.s32 $0x1BFF;
	s21 =	sshll.u32 s6, $0x1;
	s3 =	sadd.s32 s4, s19  }
0x9c: {  	s7 =	simm.s32 $0x0;
	s20 =	sshll.u32 s5, $0x1;
	s5 =	sadd.s32 s21, s3  }
0x9d: {  	[timem:s7], [sflag:s22] =	dma.local [hbm:s5], s20  }
0x9e: {  	_ =	swait.ge [sflag:s22], s20  }
0x9f: {  	s4 =	ssub.s32 $0x0, s20;
	[sflag:s22] =	ssyncset.done $0x0  }
0xa0: {  	[sflag:s22] =	ssyncadd.s32 s4;
	_ =	sdelay $0x1  }
0xa1: {  	s23 =	simm.s32 $0x1B8B  }
0xa2: {  	_ =	swait.ge [sflag:s23], $0x1  }
0xa3: {  	[sflag:s23] =	ssyncset.done $0x0  }
0xa4: {  	s25 =	simm.s32 $0x1B8E;
	s24 =	sld [smem:$0x3FFE];
	[sflag:s23] =	ssyncadd.s32 $0xFFFFFFFF  }
0xa5: {  	s26 =	simm.s32 $execute0_lowered;
	[smem:$0x3FD2] =	sst s25  }
0xa6: {  	s5 =	sshll.u32 s26, $0x1;
	_ =	strace $0x80000046;
	[dreg:$0x1] =	wrdreg $0xFFFFFFFF  }
0xa7: {  	s28 =	simm.s32 $_size_execute0_lowered;
	s3 =	sadd.s32 s3, s5;
	[dreg:$0x0] =	wrdreg $0x0  }
0xa8: {  	s5 =	sshll.u32 s28, $0x1;
	[dreg:$0x2] =	wrdreg s3  }
0xa9: {  	[dreg:$0x3] =	wrdreg s5  }
0xaa: {  	[dreg:$0x4] =	wrdreg $0xC0  }
0xab: {  	_ =	task [dreg:s7], $0x5FFFF  }
0xac: {  	[dreg:$0x1] =	wrdreg $0xFFFFFFFF  }
0xad: {  	[dreg:$0x0] =	wrdreg $0x60  }
0xae: {  	[dreg:$0x2] =	wrdreg s2  }
0xaf: {  	[dreg:$0x3] =	wrdreg s24  }
0xb0: {  	[dreg:$0x4] =	wrdreg $0x9  }
0xb1: {  	_ =	task.clear_ibuf [dreg:s7], $0x5FFFF;
	_ =	strace $0x90000046  }
0xb2: {  	s29 =	simm.s32 $0x9;
	_ =	strace $0x80000048  }
0xb3: {  	_ =	swait.ge [sflag:s29], $0x1  }
0xb4: {  	[sflag:s29] =	ssyncadd.s32 $0xFFFFFFFF  }
0xb5: {  	_ =	strace $0x90000048  }
0xb6: {  	_ =	sfence  }
0xb7: {  	s30 =	sld [smem:$0x0];
	_ =	sdelay $0x2  }
0xb8: {  	s31 =	sshll.u32 s1, $0xD;
	s1 =	sshrl.u32 s1, $0x2  }
0xb9: {  	s3 =	sand.u32 $0x4000, s31;
	s1 =	sadd.s32 s1, s30  }
0xba: {  	s0 =	sor.u32 s3, s0;
	s1 =	sshll.u32 s1, $0x11  }
0xbb: {  	s0 =	sor.u32 s1, s0  }
0xbc: {  	s0 =	sadd.s32 $0x8F2B, s0  }
0xbd: {  	[sflag:s0] =	ssyncadd.remote.s32 $0x1  }
0xbe: {  	_ =	sfence.sel $0xFFFF  }
0xbf: {  	[dreg:$0x0] =	wrdreg $0xFFFFFFFF;
	(pc) =	sbr.abs _section_cstart, $3  }
0xc0: {  	[dreg:$0x1] =	wrdreg $0xFFFFFFFF  }
0xc1: {  	_ =	task.clear_ibuf [dreg:s7], $0x2FFFF;
	_ =	strace $0x9FFFFFFF  }
0xc2: {  	(tm) =	ssettm $0x7FFFFFFF  }
0xc3: {  	_ =	shalt  }
tec
execute0_lowered:
.L_overlay_start_1:
0x0: {  	(tag) =	ssettag $0x1  }
0x1: {  	s3 =	rddreg [dreg:$0x0]  }
0x2: {  	s1 =	srdreg.scid;
	s0 =	stileid.u32  }
0x3: {  	s4 =	rddreg [dreg:$0x1];
	s2 =	simm.s32 $0x0;
	s10 =	simm.s32 $0x1B00  }
0x4: {  	s11 =	simm.s32 $0x0;
	s5 =	sand.u32 $0x1, s1;
	s6 =	sshll.u32 s0, $0x1  }
0x5: {  	[smem:$0x7FF] =	sst s2;
	s8 =	smul.u32 $0x3440, s0;
	s6 =	sor.u32 s5, s6  }
0x6: {  	s1 =	rddreg [dreg:$0x2];
	_ =	strace $0x80000047;
	s7 =	smul.u32 $0x1A20, s6  }
0x7: {  	s9 =	ssub.s32 $0x2, s5;
	s5 =	smul.u32 $0x1A20, s5;
	s6 =	sshll.u32 s6, $0x4  }
0x8: {  	s30 =	sshrl.u32 s9, $0x1;
	s6 =	sadd.s32 s6, s4;
	s7 =	smin.u32 s7, $0x32820  }
0x9: {  	s9 =	ssub.s32 s9, s30;
	s31 =	sadd.s32 s5, s8;
	s7 =	sor.u32 $0xC0000, s7  }
0xa: {  	s8 =	simm.s32 $0x1;
	s4 =	sadd.s32 $0x200, s6;
	s7 =	sshrl.u32 s7, $0x3  }
0xb: {  	v0 =	vlaneseq.u32;
	s5 =	sadd.s32 $0x400, s6;
	s3 =	sadd.s32 s3, s7;
	s7 =	smin.u32 s31, $0x32820  }
0xc: {  	v2 =	vimm.s32 $0xFFFFFF81;
	v1 =	vadd.s32 $0x2A, v0;
	s6 =	smax.u32 s9, $0x1;
	s9 =	simm.s32 $0x1A80;
	s7 =	sor.u32 $0xC0000, s7  }
.LBB2_1:
0xd: {  	v3 =	vadd.s32 s7, v1  }
0xe: {  	v4 =	vshrl.u32 v3, $0x13;
	v5 =	vshll.u32 v3, $0xD  }
0xf: {  	v4 =	vor.u32 v4, v5  }
0x10: {  	v4 =	vxor.u32 v3, v4  }
0x11: {  	v5 =	vshrl.u32 v4, $0x11;
	v6 =	vshll.u32 v4, $0xF  }
0x12: {  	v3 =	vadd.s32 v3, v4;
	v4 =	vor.u32 v5, v6  }
0x13: {  	v4 =	vxor.u32 v4, v3  }
0x14: {  	v5 =	vshrl.u32 v4, $0x6;
	v6 =	vshll.u32 v4, $0x1A  }
0x15: {  	v3 =	vadd.s32 v3, v4;
	v4 =	vor.u32 v5, v6  }
0x16: {  	v4 =	vxor.u32 v4, v3  }
0x17: {  	v5 =	vshrl.u32 v4, $0x1A;
	v6 =	vshll.u32 v4, $0x6  }
0x18: {  	v3 =	vadd.s32 v3, v4;
	v4 =	vor.u32 v5, v6  }
0x19: {  	v4 =	vxor.u32 v4, v3  }
0x1a: {  	v4 =	vadd.s32 $0x1BD11BF1, v4  }
0x1b: {  	v3 =	vadd.s32 v4, v3;
	v5 =	vshrl.u32 v4, $0xF;
	v4 =	vshll.u32 v4, $0x11  }
0x1c: {  	v3 =	vadd.s32 $0x2A, v3;
	v4 =	vor.u32 v5, v4  }
0x1d: {  	v4 =	vxor.u32 v4, v3  }
0x1e: {  	v5 =	vshrl.u32 v4, $0x3;
	v6 =	vshll.u32 v4, $0x1D  }
0x1f: {  	v3 =	vadd.s32 v3, v4;
	v4 =	vor.u32 v5, v6  }
0x20: {  	v4 =	vxor.u32 v4, v3  }
0x21: {  	v5 =	vshrl.u32 v4, $0x10;
	v6 =	vshll.u32 v4, $0x10  }
0x22: {  	v3 =	vadd.s32 v3, v4;
	v4 =	vor.u32 v5, v6  }
0x23: {  	v4 =	vxor.u32 v4, v3  }
0x24: {  	v5 =	vshrl.u32 v4, $0x8;
	v6 =	vshll.u32 v4, $0x18  }
0x25: {  	v3 =	vadd.s32 v3, v4;
	v4 =	vor.u32 v5, v6  }
0x26: {  	v4 =	vxor.u32 v4, v3  }
0x27: {  	v4 =	vadd.s32 $0x2, v4  }
0x28: {  	v3 =	vadd.s32 v4, v3;
	v5 =	vshrl.u32 v4, $0x13;
	v4 =	vshll.u32 v4, $0xD  }
0x29: {  	v3 =	vadd.s32 $0x1BD11BF0, v3;
	v4 =	vor.u32 v5, v4  }
0x2a: {  	v4 =	vxor.u32 v4, v3  }
0x2b: {  	v5 =	vshrl.u32 v4, $0x11;
	v6 =	vshll.u32 v4, $0xF  }
0x2c: {  	v3 =	vadd.s32 v3, v4;
	v4 =	vor.u32 v5, v6  }
0x2d: {  	v4 =	vxor.u32 v4, v3  }
0x2e: {  	v5 =	vshrl.u32 v4, $0x6;
	v6 =	vshll.u32 v4, $0x1A  }
0x2f: {  	v3 =	vadd.s32 v3, v4;
	v4 =	vor.u32 v5, v6  }
0x30: {  	v4 =	vxor.u32 v4, v3  }
0x31: {  	v5 =	vshrl.u32 v4, $0x1A;
	v6 =	vshll.u32 v4, $0x6  }
0x32: {  	s12 =	sadd.s32 $0x10, s7;
	v3 =	vadd.s32 v3, v4;
	v4 =	vor.u32 v5, v6  }
0x33: {  	v5 =	vadd.s32 s12, v1;
	v4 =	vxor.u32 v4, v3  }
0x34: {  	v6 =	vshrl.u32 v5, $0x13;
	v4 =	vadd.s32 $0x2D, v4  }
0x35: {  	v7 =	vshll.u32 v5, $0xD;
	v8 =	vshrl.u32 v4, $0xF;
	v9 =	vshll.u32 v4, $0x11  }
0x36: {  	v6 =	vor.u32 v6, v7;
	v3 =	vadd.s32 v3, v4;
	v4 =	vor.u32 v8, v9  }
0x37: {  	v6 =	vxor.u32 v5, v6;
	v4 =	vxor.u32 v4, v3  }
0x38: {  	v7 =	vshrl.u32 v6, $0x11;
	v8 =	vshrl.u32 v4, $0x3;
	v9 =	vshll.u32 v4, $0x1D  }
0x39: {  	v10 =	vshll.u32 v6, $0xF;
	v3 =	vadd.s32 v3, v4;
	v4 =	vor.u32 v8, v9  }
0x3a: {  	v5 =	vadd.s32 v5, v6;
	v6 =	vor.u32 v7, v10;
	v4 =	vxor.u32 v4, v3  }
0x3b: {  	v6 =	vxor.u32 v6, v5;
	v7 =	vshrl.u32 v4, $0x10;
	v8 =	vshll.u32 v4, $0x10  }
0x3c: {  	v5 =	vadd.s32 v5, v6;
	v3 =	vadd.s32 v3, v4;
	v4 =	vor.u32 v7, v8  }
0x3d: {  	v7 =	vshrl.u32 v6, $0x6;
	v6 =	vshll.u32 v6, $0x1A;
	v4 =	vxor.u32 v4, v3  }
0x3e: {  	v6 =	vor.u32 v7, v6;
	v7 =	vshrl.u32 v4, $0x8;
	v8 =	vshll.u32 v4, $0x18  }
0x3f: {  	v6 =	vxor.u32 v6, v5;
	v3 =	vadd.s32 v3, v4;
	v4 =	vor.u32 v7, v8  }
0x40: {  	v5 =	vadd.s32 v5, v6;
	v4 =	vxor.u32 v4, v3  }
0x41: {  	v7 =	vshrl.u32 v6, $0x1A;
	v6 =	vshll.u32 v6, $0x6;
	v4 =	vadd.s32 $0x1BD11BF4, v4  }
0x42: {  	v3 =	vadd.s32 v4, v3;
	v8 =	vshrl.u32 v4, $0x13;
	v4 =	vshll.u32 v4, $0xD  }
0x43: {  	v6 =	vor.u32 v7, v6;
	v3 =	vadd.s32 $0x2A, v3;
	v4 =	vor.u32 v8, v4  }
0x44: {  	v6 =	vxor.u32 v6, v5;
	v4 =	vxor.u32 v4, v3  }
0x45: {  	v6 =	vadd.s32 $0x1BD11BF1, v6;
	v7 =	vshrl.u32 v4, $0x11;
	v8 =	vshll.u32 v4, $0xF  }
0x46: {  	v5 =	vadd.s32 v6, v5;
	v3 =	vadd.s32 v3, v4;
	v4 =	vor.u32 v7, v8  }
0x47: {  	v5 =	vadd.s32 $0x2A, v5;
	v7 =	vshrl.u32 v6, $0xF;
	v4 =	vxor.u32 v4, v3  }
0x48: {  	v6 =	vshll.u32 v6, $0x11;
	v8 =	vshrl.u32 v4, $0x6;
	v9 =	vshll.u32 v4, $0x1A  }
0x49: {  	v6 =	vor.u32 v7, v6;
	v3 =	vadd.s32 v3, v4;
	v4 =	vor.u32 v8, v9  }
0x4a: {  	v6 =	vxor.u32 v6, v5;
	v4 =	vxor.u32 v4, v3  }
0x4b: {  	v7 =	vshrl.u32 v6, $0x3;
	v8 =	vshrl.u32 v4, $0x1A;
	v9 =	vshll.u32 v4, $0x6  }
0x4c: {  	v10 =	vshll.u32 v6, $0x1D;
	v3 =	vadd.s32 v3, v4;
	v4 =	vor.u32 v8, v9  }
0x4d: {  	v5 =	vadd.s32 v5, v6;
	v6 =	vor.u32 v7, v10;
	v4 =	vxor.u32 v4, v3  }
0x4e: {  	v6 =	vxor.u32 v6, v5;
	v3 =	vadd.s32 $0x1BD11BF0, v3;
	v4 =	vadd.s32 $0x5, v4  }
0x4f: {  	v7 =	vshrl.u32 v6, $0x10;
	v8 =	vshll.u32 v6, $0x10;
	v3 =	vxor.u32 v3, v4  }
0x50: {  	v5 =	vadd.s32 v5, v6;
	v4 =	vor.u32 v7, v8;
	v3 =	vshrl.u32 v3, $0x9  }
0x51: {  	v6 =	vxor.u32 v4, v5;
	v3 =	vor.u32 $0x3F800000, v3  }
0x52: {  	s15 =	sadd.s32 $0x10, s12;
	v7 =	vshrl.u32 v6, $0x8;
	v8 =	vshll.u32 v6, $0x18;
	v9 =	vadd.f32 $-1.000000000e+00, v3  }
0x53: {  	v10 =	vadd.s32 s15, v1;
	v6 =	vadd.s32 v5, v6;
	v5 =	vor.u32 v7, v8  }
0x54: {  	v15 =	vshll.u32 v10, $0xD;
	v7 =	vxor.u32 v5, v6;
	v8 =	vmax.f32 v9, $1.175494350e-38  }
0x55: {  	v4 =	vimm.f32 $-1.000000000e+00;
	v7 =	vadd.s32 $0x2, v7;
	v9 =	vand.u32 $0x7FFFFF, v8  }
0x56: {  	v3 =	vimm.s32 $0x7FFFFFFF;
	v6 =	vadd.s32 v7, v6;
	v9 =	vor.u32 $0x3F800000, v9  }
0x57: {  	v11 =	vshrl.u32 v7, $0x13;
	v7 =	vshll.u32 v7, $0xD;
	v12 =	vmul.f32 $5.000000000e-01, v9  }
0x58: {  	v6 =	vadd.s32 $0x1BD11BF0, v6;
	v7 =	vor.u32 v11, v7;
	vm0 =	vgt.f32 v9, $1.414213540e+00  }
0x59: {  	v5 =	vor.u32 s7, v0;
	v7 =	vxor.u32 v7, v6;
	v9 =	vsel vm0, v12, v9  }
0x5a: {  	[tilespmem:s2], [sflag:$0x1] =	stream.linear.gather [hbm4b:s3+s2], $0x1A20, $0x38;
	v13 =	vshll.u32 v7, $0xF;
	v12 =	vshrl.u32 v7, $0x11;
	v14 =	vadd.f32 $1.000000000e+00, v9;
	[tilespmem:$0x1B80] =	vst v63  }
0x5b: {  	_ =	swait.ge [sflag:s8], $0x1A20;
	v11 =	vshrl.u32 v10, $0x13;
	v6 =	vadd.s32 v6, v7;
	v7 =	vor.u32 v12, v13  }
0x5c: {  	v11 =	vor.u32 v11, v15;
	v7 =	vxor.u32 v7, v6;
	(erf) = vrcp.f32 v14  }
0x5d: {  	v11 =	vxor.u32 v10, v11;
	v12 =	vshrl.u32 v7, $0x6;
	v13 =	vshll.u32 v7, $0x1A  }
0x5e: {  	v10 =	vadd.s32 v10, v11;
	v6 =	vadd.s32 v6, v7;
	v7 =	vor.u32 v12, v13  }
0x5f: {  	v12 =	vshrl.u32 v11, $0x11;
	v11 =	vshll.u32 v11, $0xF;
	v7 =	vxor.u32 v7, v6  }
0x60: {  	v11 =	vor.u32 v12, v11;
	v12 =	vshrl.u32 v7, $0x1A;
	v13 =	vshll.u32 v7, $0x6  }
0x61: {  	v11 =	vxor.u32 v11, v10;
	v7 =	vadd.s32 v6, v7;
	v12 =	vor.u32 v12, v13  }
0x62: {  	v13 =	vadd.s32 v10, v11;
	v10 =	vxor.u32 v12, v7;
	v12 =	vshrl.u32 v11, $0x6  }
0x63: {  	v9 =	vadd.f32 $-1.000000000e+00, v9;
	v6 =	vor.u32 s12, v0;
	v10 =	vadd.s32 $0x2D, v10  }
0x64: {  	v11 =	vshll.u32 v11, $0x1A;
	v14 =	vshrl.u32 v10, $0xF;
	v15 =	vshll.u32 v10, $0x11  }
0x65: {  	v11 =	vor.u32 v12, v11;
	v7 =	vadd.s32 v7, v10;
	v10 =	vor.u32 v14, v15;
	v12 =	vpop (erf)  }
0x66: {  	v14 =	vxor.u32 v11, v13;
	v11 =	vxor.u32 v10, v7;
	v10 =	vmul.f32 v12, v9  }
0x67: {  	v9 =	vadd.s32 v13, v14;
	v12 =	vshrl.u32 v11, $0x3;
	v13 =	vshll.u32 v11, $0x1D  }
0x68: {  	v7 =	vadd.s32 v7, v11;
	v12 =	vor.u32 v12, v13;
	v11 =	vmul.f32 v10, v10  }
0x69: {  	v13 =	vshrl.u32 v14, $0x1A;
	v14 =	vshll.u32 v14, $0x6;
	v12 =	vxor.u32 v12, v7  }
0x6a: {  	v15 =	vshrl.u32 v12, $0x10;
	v16 =	vshll.u32 v12, $0x10;
	v17 =	vmul.f32 $1.111111120e-01, v11  }
0x6b: {  	v13 =	vor.u32 v13, v14;
	v14 =	vadd.s32 v7, v12;
	v12 =	vor.u32 v15, v16  }
0x6c: {  	v13 =	vxor.u32 v13, v9;
	v15 =	vxor.u32 v12, v14;
	v16 =	vadd.f32 $1.428571490e-01, v17  }
0x6d: {  	v12 =	vadd.s32 $0x1BD11BF1, v13;
	v17 =	vshrl.u32 v15, $0x8;
	v18 =	vshll.u32 v15, $0x18  }
0x6e: {  	s13 =	simm.s32 $0x80;
	s16 =	simm.s32 $0xC0;
	[sflag:s8] =	ssyncset.done $0x0;
	v14 =	vadd.s32 v14, v15;
	v17 =	vor.u32 v17, v18;
	v15 =	vmul.f32 v16, v11  }
0x6f: {  	s14 =	simm.s32 $0x0;
	[sflag:s8] =	ssyncadd.s32 $0xFFFFE5E0;
	s12 =	simm.s32 $0x40;
	v7 =	vor.u32 s15, v0;
	v13 =	vadd.s32 v12, v9;
	v16 =	vxor.u32 v17, v14  }
.LBB2_2:
0x70: {  	p0 =	sne.s32 s16, $0x6840;
	v17 =	vshrl.u32 v12, $0xF;
	v19 =	vadd.s32 $0x1BD11BF4, v16;
	v15 =	vadd.f32 $2.000000030e-01, v15  }
0x71: {  	v9 =	vmovc v6;
	v6 =	vmovc v7;
	v14 =	vadd.s32 v19, v14;
	v16 =	vshrl.u32 v19, $0x13;
	v18 =	vshll.u32 v19, $0xD  }
0x72: {  	v7 =	vadd.s32 $0x2A, v14;
	v14 =	vor.u32 v16, v18;
	v15 =	vmul.f32 v15, v11  }
0x73: {  	v13 =	vadd.s32 $0x2A, v13;
	v12 =	vshll.u32 v12, $0x11;
	v14 =	vxor.u32 v14, v7  }
0x74: {  	v16 =	vshrl.u32 v14, $0x11;
	v18 =	vshll.u32 v14, $0xF;
	v15 =	vadd.f32 $3.333333430e-01, v15  }
0x75: {  	v12 =	vor.u32 v17, v12;
	v7 =	vadd.s32 v7, v14;
	v14 =	vor.u32 v16, v18  }
0x76: {  	v12 =	vxor.u32 v12, v13;
	v14 =	vxor.u32 v14, v7;
	v11 =	vmul.f32 v15, v11  }
0x77: {  	v13 =	vadd.s32 v13, v12;
	v15 =	vshrl.u32 v14, $0x6;
	v16 =	vshll.u32 v14, $0x1A  }
0x78: {  	v8 =	vshrl.u32 v8, $0x17;
	v17 =	vsel vm0, $0xFFFFFF82, v2;
	v11 =	vadd.f32 $1.000000000e+00, v11  }
0x79: {  	v8 =	vadd.s32 v8, v17;
	v7 =	vadd.s32 v7, v14;
	v14 =	vor.u32 v15, v16  }
0x7a: {  	v8 =	vcvt.s32.f32 v8;
	v14 =	vxor.u32 v14, v7;
	v10 =	vmul.f32 v11, v10  }
0x7b: {  	v11 =	vshrl.u32 v12, $0x3;
	v12 =	vshll.u32 v12, $0x1D;
	v15 =	vshrl.u32 v14, $0x1A  }
0x7c: {  	v8 =	vmul.f32 $6.931471820e-01, v8;
	v16 =	vshll.u32 v14, $0x6;
	v10 =	vadd.f32 v10, v10  }
0x7d: {  	v7 =	vadd.s32 v7, v14;
	v11 =	vor.u32 v11, v12;
	v12 =	vor.u32 v15, v16  }
0x7e: {  	v11 =	vxor.u32 v11, v13;
	v12 =	vxor.u32 v12, v7;
	v8 =	vadd.f32 v10, v8  }
0x7f: {  	v7 =	vadd.s32 $0x1BD11BF0, v7;
	v12 =	vadd.s32 $0x5, v12;
	v10 =	vshrl.u32 v11, $0x10  }
0x80: {  	v14 =	vshll.u32 v11, $0x10;
	v7 =	vxor.u32 v7, v12;
	v8 =	vsub.f32 $0.0e+00, v8  }
0x81: {  	v11 =	vadd.s32 v13, v11;
	v10 =	vor.u32 v10, v14;
	v7 =	vshrl.u32 v7, $0x9  }
0x82: {  	v10 =	vxor.u32 v10, v11;
	v7 =	vor.u32 $0x3F800000, v7;
	(erf) = vrcp.f32 v8  }
0x83: {  	s15 =	sadd.s32 $0x10, s15;
	v12 =	vshll.u32 v10, $0x18;
	v7 =	vadd.f32 $-1.000000000e+00, v7;
	v8 =	vshrl.u32 v10, $0x8  }
0x84: {  	v13 =	vadd.s32 s15, v1;
	v10 =	vadd.s32 v11, v10;
	v8 =	vor.u32 v8, v12  }
0x85: {  	v11 =	vshrl.u32 v13, $0x13;
	v12 =	vxor.u32 v8, v10;
	v8 =	vmax.f32 v7, $1.175494350e-38  }
0x86: {  	s17 =	sshra.s32 s14, $0x2;
	s14 =	smov.u32 s12;
	s12 =	smov.u32 s13;
	v7 =	vshll.u32 v13, $0xD;
	v12 =	vadd.s32 $0x2, v12;
	v14 =	vand.u32 $0x7FFFFF, v8  }
0x87: {  	s13 =	smov.u32 s16;
	v7 =	vor.u32 v11, v7;
	v10 =	vadd.s32 v12, v10;
	v11 =	vor.u32 $0x3F800000, v14;
	v14 =	vld [tilespmem:s17+$0x0]  }
0x88: {  	v15 =	vshrl.u32 v12, $0x13;
	v12 =	vshll.u32 v12, $0xD;
	v16 =	vmul.f32 $5.000000000e-01, v11  }
0x89: {  	v10 =	vadd.s32 $0x1BD11BF0, v10;
	v12 =	vor.u32 v15, v12;
	vm0 =	vgt.f32 v11, $1.414213540e+00  }
0x8a: {  	v7 =	vxor.u32 v13, v7;
	v12 =	vxor.u32 v12, v10;
	v11 =	vsel vm0, v16, v11  }
0x8b: {  	v15 =	vshrl.u32 v12, $0x11;
	v16 =	vshll.u32 v12, $0xF;
	v17 =	vadd.f32 $1.000000000e+00, v11;
	v18 =	vpop (erf)  }
0x8c: {  	v10 =	vadd.s32 v10, v12;
	v12 =	vor.u32 v15, v16;
	v14 =	vmul.f32 v14, v18  }
0x8d: {  	v13 =	vadd.s32 v13, v7;
	v12 =	vxor.u32 v12, v10;
	(erf) = vrcp.f32 v17  }
0x8e: {  	v15 =	vshrl.u32 v12, $0x6;
	v16 =	vshll.u32 v12, $0x1A;
	vm1 =	vgt.f32 v14, v4  }
0x8f: {  	v10 =	vadd.s32 v10, v12;
	v12 =	vor.u32 v15, v16;
	v4 =	vsel vm1, v14, v4  }
0x90: {  	v12 =	vxor.u32 v12, v10;
	v14 =	vshrl.u32 v7, $0x11;
	v7 =	vshll.u32 v7, $0xF  }
0x91: {  	v15 =	vshll.u32 v12, $0x6;
	v7 =	vor.u32 v14, v7;
	v14 =	vshrl.u32 v12, $0x1A  }
0x92: {  	v10 =	vadd.s32 v10, v12;
	v16 =	vxor.u32 v7, v13;
	v12 =	vor.u32 v14, v15  }
0x93: {  	v7 =	vor.u32 s15, v0;
	v13 =	vadd.s32 v13, v16;
	v12 =	vxor.u32 v12, v10  }
0x94: {  	v14 =	vshrl.u32 v16, $0x6;
	v18 =	vshll.u32 v16, $0x1A;
	v12 =	vadd.s32 $0x2D, v12  }
0x95: {  	v11 =	vadd.f32 $-1.000000000e+00, v11;
	v16 =	vshrl.u32 v12, $0xF;
	v17 =	vshll.u32 v12, $0x11  }
0x96: {  	v14 =	vor.u32 v14, v18;
	v12 =	vadd.s32 v10, v12;
	v10 =	vor.u32 v16, v17;
	v15 =	vpop (erf)  }
0x97: {  	v14 =	vxor.u32 v14, v13;
	v16 =	vxor.u32 v10, v12;
	v10 =	vmul.f32 v15, v11  }
0x98: {  	v13 =	vadd.s32 v13, v14;
	v11 =	vshrl.u32 v16, $0x3;
	v15 =	vshll.u32 v16, $0x1D  }
0x99: {  	v12 =	vadd.s32 v12, v16;
	v15 =	vor.u32 v11, v15;
	v11 =	vmul.f32 v10, v10  }
0x9a: {  	v16 =	vshrl.u32 v14, $0x1A;
	v14 =	vshll.u32 v14, $0x6;
	v15 =	vxor.u32 v15, v12  }
0x9b: {  	v17 =	vshrl.u32 v15, $0x10;
	v18 =	vshll.u32 v15, $0x10;
	v19 =	vmul.f32 $1.111111120e-01, v11  }
.Ltmp0:
0x9c: {  	v14 =	vor.u32 v16, v14;
	v15 =	vadd.s32 v12, v15;
	v12 =	vor.u32 v17, v18;
	(pc) =	sbr.rel @p0 .LBB2_2-.Ltmp0, $4  }
0x9d: {  	v14 =	vxor.u32 v14, v13;
	v16 =	vxor.u32 v12, v15;
	v17 =	vadd.f32 $1.428571490e-01, v19  }
0x9e: {  	v12 =	vadd.s32 $0x1BD11BF1, v14;
	v18 =	vshrl.u32 v16, $0x8;
	v19 =	vshll.u32 v16, $0x18  }
0x9f: {  	v14 =	vadd.s32 v15, v16;
	v16 =	vor.u32 v18, v19;
	v15 =	vmul.f32 v17, v11  }
0xa0: {  	s16 =	sadd.s32 $0x40, s16;
	v3 =	vsel vm1, v5, v3;
	v5 =	vmovc v9;
	v13 =	vadd.s32 v12, v13;
	v16 =	vxor.u32 v16, v14  }
0xa1: {  	v9 =	vshrl.u32 v12, $0xF;
	v16 =	vadd.s32 $0x1BD11BF4, v16;
	v15 =	vadd.f32 $2.000000030e-01, v15  }
0xa2: {  	v13 =	vadd.s32 $0x2A, v13;
	v42 =	vshll.u32 v12, $0x11;
	v8 =	vshrl.u32 v8, $0x17  }
0xa3: {  	v49 =	vsel vm0, $0xFFFFFF82, v2;
	v14 =	vadd.s32 v16, v14;
	v17 =	vshrl.u32 v16, $0x13  }
0xa4: {  	v16 =	vshll.u32 v16, $0xD;
	v9 =	vor.u32 v9, v42;
	v8 =	vadd.s32 v8, v49  }
0xa5: {  	v14 =	vadd.s32 $0x2A, v14;
	v16 =	vor.u32 v17, v16;
	v15 =	vmul.f32 v15, v11  }
0xa6: {  	v9 =	vxor.u32 v9, v13;
	v8 =	vcvt.s32.f32 v8;
	v16 =	vxor.u32 v16, v14  }
0xa7: {  	v13 =	vadd.s32 v13, v9;
	v50 =	vshrl.u32 v9, $0x3;
	v9 =	vshll.u32 v9, $0x1D  }
0xa8: {  	v43 =	vshrl.u32 v16, $0x11;
	v18 =	vshll.u32 v16, $0xF;
	v15 =	vadd.f32 $3.333333430e-01, v15  }
0xa9: {  	v44 =	vadd.s32 v14, v16;
	v9 =	vor.u32 v50, v9;
	v45 =	vor.u32 v43, v18  }
0xaa: {  	v9 =	vxor.u32 v9, v13;
	v14 =	vxor.u32 v45, v44;
	v46 =	vmul.f32 v15, v11  }
0xab: {  	v52 =	vshrl.u32 v9, $0x10;
	v47 =	vshrl.u32 v14, $0x6;
	v48 =	vshll.u32 v14, $0x1A  }
0xac: {  	v12 =	vadd.s32 v44, v14;
	v11 =	vadd.f32 $1.000000000e+00, v46;
	v15 =	vor.u32 v47, v48  }
0xad: {  	v53 =	vshll.u32 v9, $0x10;
	v9 =	vadd.s32 v13, v9;
	v51 =	vxor.u32 v15, v12  }
0xae: {  	v10 =	vmul.f32 v11, v10;
	v54 =	vshrl.u32 v51, $0x1A;
	v11 =	vor.u32 v52, v53  }
0xaf: {  	v55 =	vshll.u32 v51, $0x6;
	v12 =	vadd.s32 v12, v51;
	v11 =	vxor.u32 v11, v9  }
0xb0: {  	v13 =	vor.u32 v54, v55;
	v56 =	vshrl.u32 v11, $0x8;
	v57 =	vshll.u32 v11, $0x18  }
0xb1: {  	v13 =	vxor.u32 v13, v12;
	v9 =	vadd.s32 v9, v11;
	v58 =	vor.u32 v56, v57  }
0xb2: {  	v12 =	vadd.s32 $0x1BD11BF0, v12;
	v13 =	vadd.s32 $0x5, v13;
	v11 =	vxor.u32 v58, v9  }
0xb3: {  	v8 =	vmul.f32 $6.931471820e-01, v8;
	v12 =	vxor.u32 v12, v13;
	v11 =	vadd.s32 $0x2, v11  }
0xb4: {  	v9 =	vadd.s32 v11, v9;
	v59 =	vshrl.u32 v11, $0x13;
	v11 =	vshll.u32 v11, $0xD  }
0xb5: {  	v12 =	vshrl.u32 v12, $0x9;
	v9 =	vadd.s32 $0x1BD11BF0, v9;
	v11 =	vor.u32 v59, v11  }
0xb6: {  	v10 =	vadd.f32 v10, v10;
	v12 =	vor.u32 $0x3F800000, v12;
	v11 =	vxor.u32 v11, v9  }
0xb7: {  	v12 =	vadd.f32 $-1.000000000e+00, v12;
	v60 =	vshrl.u32 v11, $0x11;
	v61 =	vshll.u32 v11, $0xF  }
0xb8: {  	v9 =	vadd.s32 v9, v11;
	v62 =	vor.u32 v60, v61  }
0xb9: {  	v8 =	vadd.f32 v10, v8;
	v63 =	vmax.f32 v12, $1.175494350e-38;
	v11 =	vxor.u32 v62, v9  }
0xba: {  	v12 =	vand.u32 $0x7FFFFF, v63;
	v20 =	vshrl.u32 v11, $0x6;
	v21 =	vshll.u32 v11, $0x1A  }
0xbb: {  	v12 =	vor.u32 $0x3F800000, v12;
	v9 =	vadd.s32 v9, v11;
	v22 =	vor.u32 v20, v21  }
0xbc: {  	v8 =	vsub.f32 $0.0e+00, v8;
	v23 =	vmul.f32 $5.000000000e-01, v12;
	v11 =	vxor.u32 v22, v9  }
0xbd: {  	vm12 =	vgt.f32 v12, $1.414213540e+00;
	v24 =	vshrl.u32 v11, $0x1A;
	v25 =	vshll.u32 v11, $0x6  }
0xbe: {  	v12 =	vsel vm12, v23, v12;
	v9 =	vadd.s32 v9, v11;
	v26 =	vor.u32 v24, v25  }
0xbf: {  	v13 =	vadd.f32 $1.000000000e+00, v12;
	v11 =	vxor.u32 v26, v9  }
0xc0: {  	(erf) = vrcp.f32 v8;
	v27 =	vadd.s32 $0x2D, v11  }
0xc1: {  	(erf) = vrcp.f32 v13;
	v11 =	vshrl.u32 v27, $0xF;
	v28 =	vshll.u32 v27, $0x11  }
0xc2: {  	v8 =	vadd.s32 v9, v27;
	v29 =	vor.u32 v11, v28  }
0xc3: {  	v9 =	vxor.u32 v29, v8  }
0xc4: {  	v30 =	vshrl.u32 v9, $0x3;
	v31 =	vshll.u32 v9, $0x1D  }
0xc5: {  	v8 =	vadd.s32 v8, v9;
	v32 =	vor.u32 v30, v31  }
0xc6: {  	v9 =	vxor.u32 v32, v8  }
0xc7: {  	v33 =	vshrl.u32 v9, $0x10;
	v34 =	vshll.u32 v9, $0x10  }
0xc8: {  	v8 =	vadd.s32 v8, v9;
	v35 =	vor.u32 v33, v34  }
0xc9: {  	v12 =	vadd.f32 $-1.000000000e+00, v12;
	v36 =	vpop (erf);
	v9 =	vxor.u32 v35, v8  }
0xca: {  	v37 =	vpop (erf);
	v38 =	vshrl.u32 v9, $0x8;
	v39 =	vshll.u32 v9, $0x18  }
0xcb: {  	v12 =	vmul.f32 v37, v12;
	v8 =	vadd.s32 v8, v9;
	v40 =	vor.u32 v38, v39  }
0xcc: {  	v9 =	vxor.u32 v40, v8  }
0xcd: {  	v13 =	vmul.f32 v12, v12;
	v9 =	vadd.s32 $0x1BD11BF4, v9  }
0xce: {  	v8 =	vadd.s32 v9, v8;
	v41 =	vshrl.u32 v9, $0x13;
	v9 =	vshll.u32 v9, $0xD  }
0xcf: {  	v42 =	vmul.f32 $1.111111120e-01, v13;
	v8 =	vadd.s32 $0x2A, v8;
	v9 =	vor.u32 v41, v9  }
0xd0: {  	v9 =	vxor.u32 v9, v8  }
0xd1: {  	v43 =	vadd.f32 $1.428571490e-01, v42;
	v44 =	vshrl.u32 v9, $0x11;
	v45 =	vshll.u32 v9, $0xF  }
0xd2: {  	v8 =	vadd.s32 v8, v9;
	v46 =	vor.u32 v44, v45  }
0xd3: {  	v14 =	vmul.f32 v43, v13;
	v9 =	vxor.u32 v46, v8  }
0xd4: {  	v47 =	vshrl.u32 v9, $0x6;
	v48 =	vshll.u32 v9, $0x1A  }
0xd5: {  	v14 =	vadd.f32 $2.000000030e-01, v14;
	v8 =	vadd.s32 v8, v9;
	v49 =	vor.u32 v47, v48  }
0xd6: {  	v9 =	vxor.u32 v49, v8  }
0xd7: {  	v14 =	vmul.f32 v14, v13;
	v50 =	vshrl.u32 v9, $0x1A;
	v51 =	vshll.u32 v9, $0x6  }
0xd8: {  	v8 =	vadd.s32 v8, v9;
	v52 =	vor.u32 v50, v51  }
0xd9: {  	v14 =	vadd.f32 $3.333333430e-01, v14;
	v9 =	vxor.u32 v52, v8  }
0xda: {  	v8 =	vadd.s32 $0x1BD11BF0, v8;
	v9 =	vadd.s32 $0x5, v9  }
0xdb: {  	v13 =	vmul.f32 v14, v13;
	v8 =	vxor.u32 v8, v9  }
0xdc: {  	v53 =	vshrl.u32 v63, $0x17;
	v8 =	vshrl.u32 v8, $0x9  }
0xdd: {  	v54 =	vsel vm12, $0xFFFFFF82, v2;
	v13 =	vadd.f32 $1.000000000e+00, v13;
	v8 =	vor.u32 $0x3F800000, v8  }
0xde: {  	v9 =	vadd.s32 v53, v54;
	v8 =	vadd.f32 $-1.000000000e+00, v8  }
0xdf: {  	v9 =	vcvt.s32.f32 v9;
	v55 =	vmul.f32 v13, v12  }
0xe0: {  	v8 =	vmax.f32 v8, $1.175494350e-38  }
0xe1: {  	v9 =	vmul.f32 $6.931471820e-01, v9;
	v10 =	vadd.f32 v55, v55;
	v56 =	vand.u32 $0x7FFFFF, v8  }
0xe2: {  	v12 =	vor.u32 $0x3F800000, v56  }
0xe3: {  	v9 =	vadd.f32 v10, v9;
	v57 =	vmul.f32 $5.000000000e-01, v12  }
0xe4: {  	vm13 =	vgt.f32 v12, $1.414213540e+00  }
0xe5: {  	v9 =	vsub.f32 $0.0e+00, v9;
	v10 =	vsel vm13, v57, v12  }
0xe6: {  	v12 =	vadd.f32 $1.000000000e+00, v10  }
0xe7: {  	(erf) = vrcp.f32 v9  }
0xe8: {  	(erf) = vrcp.f32 v12;
	_ =	sdelay $0x7  }
0xe9: {  	v10 =	vadd.f32 $-1.000000000e+00, v10;
	v9 =	vpop (erf)  }
0xea: {  	v12 =	vpop (erf)  }
0xeb: {  	v10 =	vmul.f32 v12, v10;
	_ =	sdelay $0x1  }
0xec: {  	v12 =	vmul.f32 v10, v10;
	_ =	sdelay $0x1  }
0xed: {  	v58 =	vmul.f32 $1.111111120e-01, v12;
	_ =	sdelay $0x1  }
0xee: {  	v13 =	vadd.f32 $1.428571490e-01, v58;
	_ =	sdelay $0x1  }
0xef: {  	v13 =	vmul.f32 v13, v12;
	_ =	sdelay $0x1  }
0xf0: {  	v13 =	vadd.f32 $2.000000030e-01, v13;
	_ =	sdelay $0x1  }
0xf1: {  	v13 =	vmul.f32 v13, v12;
	_ =	sdelay $0x1  }
0xf2: {  	v13 =	vadd.f32 $3.333333430e-01, v13;
	_ =	sdelay $0x1  }
0xf3: {  	v12 =	vmul.f32 v13, v12;
	_ =	sdelay $0x1  }
0xf4: {  	v8 =	vshrl.u32 v8, $0x17;
	v59 =	vsel vm13, $0xFFFFFF82, v2;
	v12 =	vadd.f32 $1.000000000e+00, v12  }
0xf5: {  	v8 =	vadd.s32 v8, v59  }
0xf6: {  	v8 =	vcvt.s32.f32 v8;
	v10 =	vmul.f32 v12, v10;
	_ =	sdelay $0x1  }
0xf7: {  	v8 =	vmul.f32 $6.931471820e-01, v8;
	v10 =	vadd.f32 v10, v10;
	_ =	sdelay $0x1  }
0xf8: {  	v8 =	vadd.f32 v10, v8;
	_ =	sdelay $0x1  }
0xf9: {  	v8 =	vsub.f32 $0.0e+00, v8;
	_ =	sdelay $0x1  }
0xfa: {  	s14 =	sshra.s32 s14, $0x2;
	(erf) = vrcp.f32 v8  }
0xfb: {  	v60 =	vld [tilespmem:s14+$0x0]  }
0xfc: {  	s12 =	sshra.s32 s12, $0x2  }
0xfd: {  	v61 =	vld [tilespmem:s12+$0x0]  }
0xfe: {  	s31 =	sshra.s32 s13, $0x2  }
0xff: {  	v62 =	vld [tilespmem:s31+$0x0]  }
0x100: {  	v8 =	vmul.f32 v60, v36;
	_ =	sdelay $0x1  }
0x101: {  	v9 =	vmul.f32 v61, v9;
	vm14 =	vgt.f32 v8, v4  }
0x102: {  	v4 =	vsel vm14, v8, v4;
	v63 =	vpop (erf)  }
0x103: {  	vm1 =	vgt.f32 v9, v4;
	v8 =	vmul.f32 v62, v63  }
0x104: {  	v4 =	vsel vm1, v9, v4  }
0x105: {  	v3 =	vsel vm14, v5, v3;
	vm15 =	vgt.f32 v8, v4  }
0x106: {  	v3 =	vsel vm1, v6, v3;
	v4 =	vsel vm15, v8, v4  }
0x107: {  	v3 =	vsel vm15, v7, v3;
	[tilespmem:$0x1A80] =	vst v4  }
0x108: {  	[tilespmem:$0x1B00] =	vst v3  }
0x109: {  	[hbm4b:s4+s2] =	stream.linear.scatter [tilespmem:s9], [sflag:$0x1], $0x80, $0x38;
	[tilespmem:$0x1B80] =	vst v63  }
0x10a: {  	s11 =	sadd.s32 $0x1, s11;
	_ =	swait.ge [sflag:s8], $0x80  }
0x10b: {  	p0 =	sne.s32 s11, s6;
	[sflag:s8] =	ssyncset.done $0x0  }
.Ltmp1:
0x10c: {  	[sflag:s8] =	ssyncadd.s32 $0xFFFFFF80;
	(pc) =	sbr.rel @p0 .LBB2_1-.Ltmp1, $4  }
0x10d: {  	[hbm4b:s5+s2] =	stream.linear.scatter [tilespmem:s10], [sflag:$0x1], $0x80, $0x38;
	[tilespmem:$0x1B80] =	vst v63  }
0x10e: {  	_ =	swait.ge [sflag:s8], $0x80  }
0x10f: {  	[sflag:s8] =	ssyncset.done $0x0  }
0x110: {  	[sflag:s8] =	ssyncadd.s32 $0xFFFFFF80  }
0x111: {  	_ =	sfence.sel $0x180000  }
0x112: {  	[bflag:$0x0] =	sbarrier.arrive $0xFFFF  }
0x113: {  	p0 =	sne.s32 s0, $0x0;
	_ =	strace $0x90000047  }
0x114: {  	s0 =	sadd.s32 @!p0 $0x100000, s1;
	[bflag:$0x2] =	sbarrier.arrive $0xFFFF  }
0x115: {  	[sflag:s0] =	ssyncadd.tile.s32 @!p0 $0x1;
	_ =	shalt  }
.Lfunc_end2:
_tile_overlayer_lowered:
.L_overlay_start_2:
0x116: {  	(tag) =	ssettag $0x2  }
0x117: {  	s0 =	rddreg [dreg:$0x0];
	s2 =	stileid.u32  }
0x118: {  	s1 =	rddreg [dreg:$0x1];
	p0 =	sne.s32 s2, $0x0  }
0x119: {  	s3 =	rddreg [dreg:$0x2];
	[bflag:$0x3] =	sbarrier.arrive $0xFFFF;
	s2 =	simm.s32 @!p0 $0x1C01  }
0x11a: {  	[timem:s3], [sflag:s2] =	dma.local @!p0 [hbm:s0], s1  }
0x11b: {  	s0 =	simm.s32 @!p0 $0x1  }
0x11c: {  	_ =	swait.ge @!p0 [sflag:s0], s1  }
0x11d: {  	s1 =	ssub.s32 @!p0 $0x0, s1;
	[sflag:s0] =	ssyncset.done @!p0 $0x0  }
0x11e: {  	[sflag:s0] =	ssyncadd.s32 @!p0 s1  }
0x11f: {  	[bflag:$0x3] =	sbarrier.arrive $0xFFFF  }
0x120: {  	_ =	shalt  }

</sc_bundles>
